<compile_context>
chip_gen: v7x
topology: tpu7x:2x2x1
jax: 0.10.2.dev20260603
libtpu: 0.0.44.dev20260713+nightly
codegen_flags: <defaults>
</compile_context>

<pallas_src>
import functools

import jax
import jax.numpy as jnp
from jax import lax
from jax.experimental import pallas as pl
from jax.experimental.pallas import tpu as pltpu
from jax.experimental.pallas import tpu_sc as plsc

B, N, DIM = 2, 2048, 512
NN_K1 = 2048
HEADS, DH = 8, 64
INNER = HEADS * DH
M = 2048
KRET = 32
DELTA = 0.6
NB = 256
NN = 512

_HI = jax.lax.Precision.HIGHEST
_DEF = None


def _l2n(t):
    s2 = jnp.dot(t * t, jnp.ones((DH, 128), jnp.float32), precision=_HI,
                 preferred_element_type=jnp.float32)[:, :1]
    return t / jnp.maximum(jnp.sqrt(s2), 1e-12)


def _kv_body(x_ref, wkv_ref, k_ref, v_ref):
    kv = jnp.dot(x_ref[0], wkv_ref[...], precision=_DEF,
                 preferred_element_type=jnp.float32)
    k_ref[0] = _l2n(kv[:, :DH])
    v_ref[0] = jnp.concatenate(
        [kv[:, DH:], jnp.ones((NN_K1, 1), jnp.float32)], axis=1)


def _kv_proj(x, Wkv):
    return pl.pallas_call(
        _kv_body,
        grid=(B,),
        in_specs=[
            pl.BlockSpec((1, N, DIM), lambda b: (b, 0, 0)),
            pl.BlockSpec((DIM, 2 * DH), lambda b: (0, 0)),
        ],
        out_specs=[
            pl.BlockSpec((1, N, DH), lambda b: (b, 0, 0)),
            pl.BlockSpec((1, N, DH + 1), lambda b: (b, 0, 0)),
        ],
        out_shape=[
            jax.ShapeDtypeStruct((B, N, DH), jnp.float32),
            jax.ShapeDtypeStruct((B, N, DH + 1), jnp.float32),
        ],
    )(x, Wkv)


def _scores_body(x_ref, wq_ref, dbk_ref, s_ref, q_ref):
    q = _l2n(jnp.dot(x_ref[0].astype(jnp.bfloat16),
                     wq_ref[0].astype(jnp.bfloat16),
                     preferred_element_type=jnp.float32))
    q_ref[0, 0] = q
    s_ref[0, 0] = lax.dot_general(
        q, dbk_ref[0], (((1,), (1,)), ((), ())), precision=_DEF,
        preferred_element_type=jnp.float32)


def _scores(x, Wqh, db_k):
    return pl.pallas_call(
        _scores_body,
        grid=(B, HEADS, N // NN),
        in_specs=[
            pl.BlockSpec((1, NN, DIM), lambda b, h, n: (b, n, 0)),
            pl.BlockSpec((1, DIM, DH), lambda b, h, n: (h, 0, 0)),
            pl.BlockSpec((1, M, DH), lambda b, h, n: (b, 0, 0)),
        ],
        out_specs=[
            pl.BlockSpec((1, 1, NN, M), lambda b, h, n: (b, h, n, 0)),
            pl.BlockSpec((1, 1, NN, DH), lambda b, h, n: (b, h, n, 0)),
        ],
        out_shape=[
            jax.ShapeDtypeStruct((B, HEADS, N, M), jnp.float32),
            jax.ShapeDtypeStruct((B, HEADS, N, DH), jnp.float32),
        ],
    )(x, Wqh, db_k)


R = B * HEADS * N
L = 16
ROWS_PER_SLAB = 16
SLAB = ROWS_PER_SLAB * M
GROUPS = R // ROWS_PER_SLAB



def _row_count(buf, p, r, thr):
    def body(i, cnt):
        c = None
        for u in range(8):
            vv = buf[p, r, pl.ds((i * 8 + u) * L, L)]
            inc = jnp.where(vv >= thr, 1, 0).astype(jnp.int32)
            c = inc if c is None else c + inc
        return cnt + c
    cnt = lax.fori_loop(0, M // (8 * L), body, jnp.zeros((L,), jnp.int32))
    return jnp.sum(cnt)


def _row_threshold(buf, p, r):
    def mbody(i, mx):
        for u in range(8):
            mx = jnp.maximum(mx, buf[p, r, pl.ds((i * 8 + u) * L, L)])
        return mx
    mx = lax.fori_loop(0, M // (8 * L), mbody,
                       jnp.full((L,), -1e30, jnp.float32))
    row_max = jnp.max(mx)
    t0 = row_max - DELTA
    cnt = _row_count(buf, p, r, t0)

    def bisect(_):
        def bbody(_, st):
            lo, hi = st
            mid = 0.5 * (lo + hi)
            big = _row_count(buf, p, r, mid) > KRET
            return (jnp.where(big, mid, lo), jnp.where(big, hi, mid))
        _, hi = lax.fori_loop(0, 20, bbody, (t0, row_max + 1.0))
        return hi

    return lax.cond(cnt > KRET, bisect, lambda _: t0, 0)


def _sc_thresholds(s2d):
    info = plsc.get_sparse_core_info()
    nw = info.num_cores * info.num_subcores
    rows_per_w = R // nw
    spw = rows_per_w // ROWS_PER_SLAB
    mesh = plsc.VectorSubcoreMesh(core_axis_name="c", subcore_axis_name="s")

    @functools.partial(
        pl.kernel,
        out_type=jax.ShapeDtypeStruct((R,), jnp.float32),
        mesh=mesh,
        compiler_params=pltpu.CompilerParams(needs_layout_passes=False),
        scratch_types=[
            pltpu.VMEM((2, ROWS_PER_SLAB, M), jnp.float32),
            pltpu.VMEM((rows_per_w,), jnp.float32),
            pltpu.SemaphoreType.DMA,
            pltpu.SemaphoreType.DMA,
        ],
    )
    def sc_thr(s_hbm, out_hbm, buf, thrbuf, sem0, sem1):
        wid = lax.axis_index("s") * info.num_cores + lax.axis_index("c")
        lane = lax.iota(jnp.int32, L)
        sems = (sem0, sem1)

        def src_of(s):
            return s_hbm.at[pl.ds((wid * spw + s) * ROWS_PER_SLAB,
                                  ROWS_PER_SLAB), :]

        pltpu.async_copy(src_of(0), buf.at[0], sem0)

        def pair_body(s2, _):
            for par in (0, 1):
                s = s2 * 2 + par
                pltpu.make_async_copy(src_of(s), buf.at[par],
                                      sems[par]).wait()

                @pl.when(s + 1 < spw)
                def _():
                    pltpu.async_copy(src_of(s + 1), buf.at[1 - par],
                                     sems[1 - par])

                def row_body(r, tv):
                    thr = _row_threshold(buf, par, r)
                    return jnp.where(lane == r, thr, tv)
                tv = lax.fori_loop(0, ROWS_PER_SLAB, row_body,
                                   jnp.zeros((L,), jnp.float32))
                thrbuf[pl.ds(s * ROWS_PER_SLAB, ROWS_PER_SLAB)] = tv
            return 0

        lax.fori_loop(0, spw // 2, pair_body, 0)
        pltpu.sync_copy(thrbuf, out_hbm.at[pl.ds(wid * rows_per_w,
                                                 rows_per_w)])

    return sc_thr(s2d)


def _attn_body(q_ref, dbk_ref, thr_ref, k_ref, v_ref, dbv_ref, wout_ref,
               ls_ref, out_ref):
    h = pl.program_id(2)
    scale = jnp.exp(ls_ref[h, 0, 0])
    qs = q_ref[0, 0] * scale
    p = lax.dot_general(qs, dbk_ref[0], (((1,), (1,)), ((), ())),
                        precision=_HI,
                        preferred_element_type=jnp.float32)
    thr_s = thr_ref[0, 0] * scale
    pm = jnp.where(p >= thr_s[:, None], p, -1e30)
    loc = lax.dot_general(qs, k_ref[0], (((1,), (1,)), ((), ())),
                          precision=_DEF,
                          preferred_element_type=jnp.float32)
    m = jnp.maximum(jnp.max(pm, axis=1), jnp.max(loc, axis=1))[:, None]
    e_db = jnp.exp(pm - m)
    e_loc = jnp.exp(loc - m)
    num = (jnp.dot(e_db, dbv_ref[0], precision=_DEF,
                   preferred_element_type=jnp.float32)
           + jnp.dot(e_loc, v_ref[0], precision=_DEF,
                     preferred_element_type=jnp.float32))
    oh = num[:, :DH] / num[:, DH:]
    part = jnp.dot(oh.astype(jnp.bfloat16),
                   wout_ref[...].astype(jnp.bfloat16),
                   preferred_element_type=jnp.float32)

    @pl.when(h == 0)
    def _():
        out_ref[0] = part

    @pl.when(h != 0)
    def _():
        out_ref[0] = out_ref[0] + part


def _attention(q, db_k, thr3, k, v, db_v, Wout, log_scale):
    return pl.pallas_call(
        _attn_body,
        grid=(B, N // NB, HEADS),
        in_specs=[
            pl.BlockSpec((1, 1, NB, DH), lambda b, n, h: (b, h, n, 0)),
            pl.BlockSpec((1, M, DH), lambda b, n, h: (b, 0, 0)),
            pl.BlockSpec((1, 1, NB),
                         lambda b, n, h: ((b * HEADS + h) * (N // NB) + n,
                                          0, 0)),
            pl.BlockSpec((1, N, DH), lambda b, n, h: (b, 0, 0)),
            pl.BlockSpec((1, N, DH + 1), lambda b, n, h: (b, 0, 0)),
            pl.BlockSpec((1, M, DH + 1), lambda b, n, h: (b, 0, 0)),
            pl.BlockSpec((DH, DIM), lambda b, n, h: (h, 0)),
            pl.BlockSpec(memory_space=pltpu.SMEM),
        ],
        out_specs=pl.BlockSpec((1, NB, DIM), lambda b, n, h: (b, n, 0)),
        out_shape=jax.ShapeDtypeStruct((B, N, DIM), jnp.float32),
    )(q, db_k, thr3, k, v, db_v, Wout, log_scale)


def kernel(x, knn_db, Wq, Wkv, Wout, log_scale):
    db_k = knn_db[:, :, 0, :]
    db_v = jnp.concatenate(
        [knn_db[:, :, 1, :], jnp.ones((B, M, 1), jnp.float32)], axis=2)
    k, v = _kv_proj(x, Wkv)
    Wqh = Wq.reshape(DIM, HEADS, DH).transpose(1, 0, 2)
    S, q = _scores(x, Wqh, db_k)
    thr = _sc_thresholds(S.reshape(B * HEADS * N, M))
    thr3 = thr.reshape(B * HEADS * (N // NB), 1, NB)
    return _attention(q, db_k, thr3, k, v, db_v, Wout, log_scale)

# --- scband reference (transcript-rebuilt; emitter-appended) ---
"""Pipeline reference for scband-knnattention-72129680769661 (READ-ONLY COPY).

The authoritative reference and input builder live on the scoring server;
editing this copy changes nothing except your own understanding.
"""

import jax, jax.numpy as jnp
import numpy as np

B, N, DIM = 2, 2048, 512
HEADS, DIM_HEAD = 8, 64
INNER = HEADS * DIM_HEAD
M_MEM = 2048
K_RET = 32


def l2norm(t):
    nrm = jnp.linalg.norm(t, axis=-1, keepdims=True)
    return t / jnp.maximum(nrm, 1e-12)


def _xavier(key, shape):
    gain = np.sqrt(2.0)
    limit = gain * np.sqrt(6.0 / (shape[0] + shape[1]))
    return jax.random.uniform(key, shape, jnp.float32, -limit, limit)


def setup_inputs(seed: int = 0):
    key = jax.random.key(seed)
    ks = jax.random.split(key, 6)
    x = jax.random.normal(ks[0], (B, N, DIM), dtype=jnp.float32)
    knn_db = jax.random.normal(ks[1], (B, M_MEM, 2, DIM_HEAD), dtype=jnp.float32)
    Wq = _xavier(ks[2], (DIM, INNER))
    Wkv = _xavier(ks[3], (DIM, 2 * DIM_HEAD))
    Wout = _xavier(ks[4], (INNER, DIM))
    log_scale = jnp.full((HEADS, 1, 1), np.log(20.0), dtype=jnp.float32)
    return {"x": x, "knn_db": knn_db, "Wq": Wq, "Wkv": Wkv, "Wout": Wout, "log_scale": log_scale}


def reference(x, knn_db, Wq, Wkv, Wout, log_scale):
    b, n, _ = x.shape
    q = (x @ Wq).reshape(b, n, HEADS, DIM_HEAD).transpose(0, 2, 1, 3)
    kv = x @ Wkv
    k, v = kv[..., :DIM_HEAD], kv[..., DIM_HEAD:]
    q = l2norm(q)
    k = l2norm(k)
    scale = jnp.exp(log_scale)
    # local attention similarities (bidirectional, no mask)
    sim = jnp.einsum('bhid,bjd->bhij', q, k) * scale
    # brute-force knn memory search: db keys/values stacked along dim -2
    db_k = knn_db[:, :, 0, :]
    db_v = knn_db[:, :, 1, :]
    sim_db = jnp.einsum('bhid,bmd->bhim', q, db_k)
    idx = jax.lax.top_k(jax.lax.stop_gradient(sim_db), K_RET)[1]
    bi = jnp.arange(b)[:, None, None, None]
    mem_k = db_k[bi, idx]
    mem_v = db_v[bi, idx]
    sim_mem = jnp.einsum('bhid,bhijd->bhij', q, mem_k) * scale
    # all retrieved memories valid -> mem_mask all True, no masking needed
    sim_full = jnp.concatenate([sim_mem, sim], axis=-1)
    attn = jax.nn.softmax(sim_full, axis=-1)  # stable_softmax
    mem_attn = attn[..., :K_RET]
    local_attn = attn[..., K_RET:]
    local_out = jnp.einsum('bhij,bjd->bhid', local_attn, v)
    mem_out = jnp.einsum('bhij,bhijd->bhid', mem_attn, mem_v)
    out = (local_out + mem_out).transpose(0, 2, 1, 3).reshape(b, n, INNER)
    return out @ Wout

if __name__ == "__main__":
    import jax
    _d = setup_inputs()
    print(jax.jit(kernel)(*tuple(_d.values())))

</pallas_src>

<mosaic_0001>
#map = affine_map<(d0, d1) -> (0, 0)>
#map1 = affine_map<(d0, d1) -> (0)>
module attributes {stable_mosaic.version = 14 : i64} {
  func.func @sc_thr(%arg0: i32, %arg1: i32, %arg2: memref<32768x2048xf32, #tpu.memory_space<hbm>>, %arg3: memref<32768xf32, #tpu.memory_space<hbm>>, %arg4: memref<2x16x2048xf32, #tpu.memory_space<vmem>>, %arg5: memref<1024xf32, #tpu.memory_space<vmem>>, %arg6: memref<!tpu.dma_semaphore, #tpu.memory_space<semaphore_mem>>, %arg7: memref<!tpu.dma_semaphore, #tpu.memory_space<semaphore_mem>>) attributes {dimension_semantics = [#tpu.dimension_semantics<core_parallel>, #tpu.dimension_semantics<subcore_parallel>], iteration_bounds = array<i64: 2, 16>, scalar_prefetch = 0 : i64, scratch_operands = 4 : i64, tpu.core_type = #tpu.core_type<sc_vector_subcore>, window_params = [{transform_indices = #map}, {transform_indices = #map1}]} {
    %mul3A = arith.constant 2 : i32
    %mul3A_0 = arith.muli %arg1, %mul3A : i32
    %add3A = arith.addi %mul3A_0, %arg0 : i32
    %iota3A = tpu.iota {dimensions = array<i32: 0>} : vector<16xi32>
    %mul3A_1 = arith.constant 64 : i32
    %mul3A_2 = arith.muli %add3A, %mul3A_1 : i32
    %add3A_3 = arith.constant 0 : i32
    %add3A_4 = arith.addi %mul3A_2, %add3A_3 : i32
    %mul3A_5 = arith.constant 16 : i32
    %mul3A_6 = arith.muli %add3A_4, %mul3A_5 : i32
    %dma_start3A = arith.constant 0 : i32
    %dma_start3A_7 = arith.constant 0 : i32
    %dma_start3A_8 = arith.constant 0 : i32
    %dma_start3A_9 = tpu.memref_slice %arg4[%dma_start3A, %dma_start3A_7, %dma_start3A_8] : memref<2x16x2048xf32, #tpu.memory_space<vmem>> -> memref<1x16x2048xf32, #tpu.memory_space<vmem>>
    %dma_start3A_10 = tpu.memref_squeeze %dma_start3A_9 : memref<1x16x2048xf32, #tpu.memory_space<vmem>> -> memref<16x2048xf32, #tpu.memory_space<vmem>>
    %dma_start3A_11 = arith.constant 0 : i32
    %dma_start3A_12 = tpu.memref_slice %arg2[%mul3A_6, %dma_start3A_11] : memref<32768x2048xf32, #tpu.memory_space<hbm>> -> memref<16x2048xf32, #tpu.memory_space<hbm>>
    %dma_start3A_13 = arith.constant 0 : i32
    %dma_start3A_14 = arith.constant 0 : i32
    %dma_start3A_15 = tpu.memref_slice %arg4[%dma_start3A, %dma_start3A_13, %dma_start3A_14] : memref<2x16x2048xf32, #tpu.memory_space<vmem>> -> memref<1x16x2048xf32, #tpu.memory_space<vmem>>
    %dma_start3A_16 = tpu.memref_squeeze %dma_start3A_15 : memref<1x16x2048xf32, #tpu.memory_space<vmem>> -> memref<16x2048xf32, #tpu.memory_space<vmem>>
    %dma_start3A_17 = arith.constant 0 : i32
    %dma_start3A_18 = tpu.memref_slice %arg2[%mul3A_6, %dma_start3A_17] : memref<32768x2048xf32, #tpu.memory_space<hbm>> -> memref<16x2048xf32, #tpu.memory_space<hbm>>
    tpu.enqueue_dma source(%dma_start3A_18 : memref<16x2048xf32, #tpu.memory_space<hbm>>) target(%dma_start3A_16 : memref<16x2048xf32, #tpu.memory_space<vmem>>) target_semaphore(%arg6 : memref<!tpu.dma_semaphore, #tpu.memory_space<semaphore_mem>>)
    %scan3A = arith.constant 0 : i32
    %scan3A_19 = arith.constant 0 : i32
    %scan3A_20 = arith.constant 32 : i32
    %scan3A_21 = arith.addi %scan3A_19, %scan3A_20 : i32
    %scan3A_22 = arith.constant 1 : i32
    %scan3A_23 = scf.for %scan3A_27 = %scan3A_19 to %scan3A_21 step %scan3A_22 iter_args(%scan3A_28 = %scan3A) -> (i32)  : i32 {
      %mul3A_29 = arith.constant 2 : i32
      %mul3A_30 = arith.muli %scan3A_27, %mul3A_29 : i32
      %add3A_31 = arith.constant 0 : i32
      %add3A_32 = arith.addi %mul3A_30, %add3A_31 : i32
      %mul3A_33 = arith.constant 64 : i32
      %mul3A_34 = arith.muli %add3A, %mul3A_33 : i32
      %add3A_35 = arith.addi %mul3A_34, %add3A_32 : i32
      %mul3A_36 = arith.constant 16 : i32
      %mul3A_37 = arith.muli %add3A_35, %mul3A_36 : i32
      %dma_wait3A = arith.constant 0 : i32
      %dma_wait3A_38 = arith.constant 0 : i32
      %dma_wait3A_39 = arith.constant 0 : i32
      %dma_wait3A_40 = tpu.memref_slice %arg4[%dma_wait3A, %dma_wait3A_38, %dma_wait3A_39] : memref<2x16x2048xf32, #tpu.memory_space<vmem>> -> memref<1x16x2048xf32, #tpu.memory_space<vmem>>
      %dma_wait3A_41 = tpu.memref_squeeze %dma_wait3A_40 : memref<1x16x2048xf32, #tpu.memory_space<vmem>> -> memref<16x2048xf32, #tpu.memory_space<vmem>>
      %dma_wait3A_42 = arith.constant 0 : i32
      %dma_wait3A_43 = tpu.memref_slice %arg2[%mul3A_37, %dma_wait3A_42] : memref<32768x2048xf32, #tpu.memory_space<hbm>> -> memref<16x2048xf32, #tpu.memory_space<hbm>>
      %dma_wait3A_44 = arith.constant 0 : i32
      %dma_wait3A_45 = arith.constant 0 : i32
      %dma_wait3A_46 = tpu.memref_slice %arg4[%dma_wait3A, %dma_wait3A_44, %dma_wait3A_45] : memref<2x16x2048xf32, #tpu.memory_space<vmem>> -> memref<1x16x2048xf32, #tpu.memory_space<vmem>>
      %dma_wait3A_47 = tpu.memref_squeeze %dma_wait3A_46 : memref<1x16x2048xf32, #tpu.memory_space<vmem>> -> memref<16x2048xf32, #tpu.memory_space<vmem>>
      %dma_wait3A_48 = arith.constant 0 : i32
      %dma_wait3A_49 = tpu.memref_slice %arg2[%mul3A_37, %dma_wait3A_48] : memref<32768x2048xf32, #tpu.memory_space<hbm>> -> memref<16x2048xf32, #tpu.memory_space<hbm>>
      tpu.wait_dma2 semaphore(%arg6 : memref<!tpu.dma_semaphore, #tpu.memory_space<semaphore_mem>>) src(%dma_wait3A_49 : memref<16x2048xf32, #tpu.memory_space<hbm>>) dst(%dma_wait3A_47 : memref<16x2048xf32, #tpu.memory_space<vmem>>)
      %add3A_50 = arith.constant 1 : i32
      %add3A_51 = arith.addi %add3A_32, %add3A_50 : i32
      %lt3A = arith.constant 64 : i32
      %lt3A_52 = arith.cmpi slt, %add3A_51, %lt3A : i32
      %convert_element_type3A = arith.extui %lt3A_52 : i1 to i32
      %cond3A = arith.constant 0 : i32
      %cond3A_53 = arith.cmpi ne, %convert_element_type3A, %cond3A : i32
      scf.if %cond3A_53 {
        %add3A_106 = arith.constant 1 : i32
        %add3A_107 = arith.addi %add3A_32, %add3A_106 : i32
        %mul3A_108 = arith.constant 64 : i32
        %mul3A_109 = arith.muli %add3A, %mul3A_108 : i32
        %add3A_110 = arith.addi %mul3A_109, %add3A_107 : i32
        %mul3A_111 = arith.constant 16 : i32
        %mul3A_112 = arith.muli %add3A_110, %mul3A_111 : i32
        %dma_start3A_113 = arith.constant 1 : i32
        %dma_start3A_114 = arith.constant 0 : i32
        %dma_start3A_115 = arith.constant 0 : i32
        %dma_start3A_116 = tpu.memref_slice %arg4[%dma_start3A_113, %dma_start3A_114, %dma_start3A_115] : memref<2x16x2048xf32, #tpu.memory_space<vmem>> -> memref<1x16x2048xf32, #tpu.memory_space<vmem>>
        %dma_start3A_117 = tpu.memref_squeeze %dma_start3A_116 : memref<1x16x2048xf32, #tpu.memory_space<vmem>> -> memref<16x2048xf32, #tpu.memory_space<vmem>>
        %dma_start3A_118 = arith.constant 0 : i32
        %dma_start3A_119 = tpu.memref_slice %arg2[%mul3A_112, %dma_start3A_118] : memref<32768x2048xf32, #tpu.memory_space<hbm>> -> memref<16x2048xf32, #tpu.memory_space<hbm>>
        %dma_start3A_120 = arith.constant 0 : i32
        %dma_start3A_121 = arith.constant 0 : i32
        %dma_start3A_122 = tpu.memref_slice %arg4[%dma_start3A_113, %dma_start3A_120, %dma_start3A_121] : memref<2x16x2048xf32, #tpu.memory_space<vmem>> -> memref<1x16x2048xf32, #tpu.memory_space<vmem>>
        %dma_start3A_123 = tpu.memref_squeeze %dma_start3A_122 : memref<1x16x2048xf32, #tpu.memory_space<vmem>> -> memref<16x2048xf32, #tpu.memory_space<vmem>>
        %dma_start3A_124 = arith.constant 0 : i32
        %dma_start3A_125 = tpu.memref_slice %arg2[%mul3A_112, %dma_start3A_124] : memref<32768x2048xf32, #tpu.memory_space<hbm>> -> memref<16x2048xf32, #tpu.memory_space<hbm>>
        tpu.enqueue_dma source(%dma_start3A_125 : memref<16x2048xf32, #tpu.memory_space<hbm>>) target(%dma_start3A_123 : memref<16x2048xf32, #tpu.memory_space<vmem>>) target_semaphore(%arg7 : memref<!tpu.dma_semaphore, #tpu.memory_space<semaphore_mem>>)
      } else {
      }
      %broadcast_in_dim3A = arith.constant 0.000000e+00 : f32
      %broadcast_in_dim3A_54 = vector.broadcast %broadcast_in_dim3A : f32 to vector<16xf32>
      %scan3A_55 = arith.constant 0 : i32
      %scan3A_56 = arith.constant 16 : i32
      %scan3A_57 = arith.addi %scan3A_55, %scan3A_56 : i32
      %scan3A_58 = arith.constant 1 : i32
      %scan3A_59 = scf.for %scan3A_106 = %scan3A_55 to %scan3A_57 step %scan3A_58 iter_args(%scan3A_107 = %broadcast_in_dim3A_54) -> (vector<16xf32>)  : i32 {
        %broadcast_in_dim3A_108 = arith.constant -1.000000e+30 : f32
        %broadcast_in_dim3A_109 = vector.broadcast %broadcast_in_dim3A_108 : f32 to vector<16xf32>
        %scan3A_110 = arith.constant 0 : i32
        %scan3A_111 = arith.constant 16 : i32
        %scan3A_112 = arith.addi %scan3A_110, %scan3A_111 : i32
        %scan3A_113 = arith.constant 1 : i32
        %scan3A_114 = scf.for %scan3A_139 = %scan3A_110 to %scan3A_112 step %scan3A_113 iter_args(%scan3A_140 = %broadcast_in_dim3A_109) -> (vector<16xf32>)  : i32 {
          %mul3A_141 = arith.constant 8 : i32
          %mul3A_142 = arith.muli %scan3A_139, %mul3A_141 : i32
          %add3A_143 = arith.constant 0 : i32
          %add3A_144 = arith.addi %mul3A_142, %add3A_143 : i32
          %mul3A_145 = arith.constant 16 : i32
          %mul3A_146 = arith.muli %add3A_144, %mul3A_145 : i32
          %get3A = arith.constant 0 : i32
          %get3A_147 = arith.index_cast %get3A : i32 to index
          %get3A_148 = arith.index_cast %scan3A_106 : i32 to index
          %get3A_149 = arith.index_cast %mul3A_146 : i32 to index
          %get3A_150 = tpu.vector_load %arg4[%get3A_147, %get3A_148, %get3A_149] {strides = array<i32>} : memref<2x16x2048xf32, #tpu.memory_space<vmem>>, vector<16xf32>,
          %max3A = arith.maximumf %scan3A_140, %get3A_150 : vector<16xf32>
          %mul3A_151 = arith.constant 8 : i32
          %mul3A_152 = arith.muli %scan3A_139, %mul3A_151 : i32
          %add3A_153 = arith.constant 1 : i32
          %add3A_154 = arith.addi %mul3A_152, %add3A_153 : i32
          %mul3A_155 = arith.constant 16 : i32
          %mul3A_156 = arith.muli %add3A_154, %mul3A_155 : i32
          %get3A_157 = arith.constant 0 : i32
          %get3A_158 = arith.index_cast %get3A_157 : i32 to index
          %get3A_159 = arith.index_cast %scan3A_106 : i32 to index
          %get3A_160 = arith.index_cast %mul3A_156 : i32 to index
          %get3A_161 = tpu.vector_load %arg4[%get3A_158, %get3A_159, %get3A_160] {strides = array<i32>} : memref<2x16x2048xf32, #tpu.memory_space<vmem>>, vector<16xf32>,
          %max3A_162 = arith.maximumf %max3A, %get3A_161 : vector<16xf32>
          %mul3A_163 = arith.constant 8 : i32
          %mul3A_164 = arith.muli %scan3A_139, %mul3A_163 : i32
          %add3A_165 = arith.constant 2 : i32
          %add3A_166 = arith.addi %mul3A_164, %add3A_165 : i32
          %mul3A_167 = arith.constant 16 : i32
          %mul3A_168 = arith.muli %add3A_166, %mul3A_167 : i32
          %get3A_169 = arith.constant 0 : i32
          %get3A_170 = arith.index_cast %get3A_169 : i32 to index
          %get3A_171 = arith.index_cast %scan3A_106 : i32 to index
          %get3A_172 = arith.index_cast %mul3A_168 : i32 to index
          %get3A_173 = tpu.vector_load %arg4[%get3A_170, %get3A_171, %get3A_172] {strides = array<i32>} : memref<2x16x2048xf32, #tpu.memory_space<vmem>>, vector<16xf32>,
          %max3A_174 = arith.maximumf %max3A_162, %get3A_173 : vector<16xf32>
          %mul3A_175 = arith.constant 8 : i32
          %mul3A_176 = arith.muli %scan3A_139, %mul3A_175 : i32
          %add3A_177 = arith.constant 3 : i32
          %add3A_178 = arith.addi %mul3A_176, %add3A_177 : i32
          %mul3A_179 = arith.constant 16 : i32
          %mul3A_180 = arith.muli %add3A_178, %mul3A_179 : i32
          %get3A_181 = arith.constant 0 : i32
          %get3A_182 = arith.index_cast %get3A_181 : i32 to index
          %get3A_183 = arith.index_cast %scan3A_106 : i32 to index
          %get3A_184 = arith.index_cast %mul3A_180 : i32 to index
          %get3A_185 = tpu.vector_load %arg4[%get3A_182, %get3A_183, %get3A_184] {strides = array<i32>} : memref<2x16x2048xf32, #tpu.memory_space<vmem>>, vector<16xf32>,
          %max3A_186 = arith.maximumf %max3A_174, %get3A_185 : vector<16xf32>
          %mul3A_187 = arith.constant 8 : i32
          %mul3A_188 = arith.muli %scan3A_139, %mul3A_187 : i32
          %add3A_189 = arith.constant 4 : i32
          %add3A_190 = arith.addi %mul3A_188, %add3A_189 : i32
          %mul3A_191 = arith.constant 16 : i32
          %mul3A_192 = arith.muli %add3A_190, %mul3A_191 : i32
          %get3A_193 = arith.constant 0 : i32
          %get3A_194 = arith.index_cast %get3A_193 : i32 to index
          %get3A_195 = arith.index_cast %scan3A_106 : i32 to index
          %get3A_196 = arith.index_cast %mul3A_192 : i32 to index
          %get3A_197 = tpu.vector_load %arg4[%get3A_194, %get3A_195, %get3A_196] {strides = array<i32>} : memref<2x16x2048xf32, #tpu.memory_space<vmem>>, vector<16xf32>,
          %max3A_198 = arith.maximumf %max3A_186, %get3A_197 : vector<16xf32>
          %mul3A_199 = arith.constant 8 : i32
          %mul3A_200 = arith.muli %scan3A_139, %mul3A_199 : i32
          %add3A_201 = arith.constant 5 : i32
          %add3A_202 = arith.addi %mul3A_200, %add3A_201 : i32
          %mul3A_203 = arith.constant 16 : i32
          %mul3A_204 = arith.muli %add3A_202, %mul3A_203 : i32
          %get3A_205 = arith.constant 0 : i32
          %get3A_206 = arith.index_cast %get3A_205 : i32 to index
          %get3A_207 = arith.index_cast %scan3A_106 : i32 to index
          %get3A_208 = arith.index_cast %mul3A_204 : i32 to index
          %get3A_209 = tpu.vector_load %arg4[%get3A_206, %get3A_207, %get3A_208] {strides = array<i32>} : memref<2x16x2048xf32, #tpu.memory_space<vmem>>, vector<16xf32>,
          %max3A_210 = arith.maximumf %max3A_198, %get3A_209 : vector<16xf32>
          %mul3A_211 = arith.constant 8 : i32
          %mul3A_212 = arith.muli %scan3A_139, %mul3A_211 : i32
          %add3A_213 = arith.constant 6 : i32
          %add3A_214 = arith.addi %mul3A_212, %add3A_213 : i32
          %mul3A_215 = arith.constant 16 : i32
          %mul3A_216 = arith.muli %add3A_214, %mul3A_215 : i32
          %get3A_217 = arith.constant 0 : i32
          %get3A_218 = arith.index_cast %get3A_217 : i32 to index
          %get3A_219 = arith.index_cast %scan3A_106 : i32 to index
          %get3A_220 = arith.index_cast %mul3A_216 : i32 to index
          %get3A_221 = tpu.vector_load %arg4[%get3A_218, %get3A_219, %get3A_220] {strides = array<i32>} : memref<2x16x2048xf32, #tpu.memory_space<vmem>>, vector<16xf32>,
          %max3A_222 = arith.maximumf %max3A_210, %get3A_221 : vector<16xf32>
          %mul3A_223 = arith.constant 8 : i32
          %mul3A_224 = arith.muli %scan3A_139, %mul3A_223 : i32
          %add3A_225 = arith.constant 7 : i32
          %add3A_226 = arith.addi %mul3A_224, %add3A_225 : i32
          %mul3A_227 = arith.constant 16 : i32
          %mul3A_228 = arith.muli %add3A_226, %mul3A_227 : i32
          %get3A_229 = arith.constant 0 : i32
          %get3A_230 = arith.index_cast %get3A_229 : i32 to index
          %get3A_231 = arith.index_cast %scan3A_106 : i32 to index
          %get3A_232 = arith.index_cast %mul3A_228 : i32 to index
          %get3A_233 = tpu.vector_load %arg4[%get3A_230, %get3A_231, %get3A_232] {strides = array<i32>} : memref<2x16x2048xf32, #tpu.memory_space<vmem>>, vector<16xf32>,
          %max3A_234 = arith.maximumf %max3A_222, %get3A_233 : vector<16xf32>
          scf.yield %max3A_234 : vector<16xf32>
        }
        %scan3A_115 = arith.constant 16 : i32
        %reduce_max3A = arith.constant true
        %reduce_max3A_116 = vector.broadcast %reduce_max3A : i1 to vector<16xi1>
        %reduce_max3A_117 = tpu.scan <max>, %scan3A_114 masked %reduce_max3A_116 : vector<16xf32>, vector<16xi1> -> vector<16xf32>
        %reduce_max3A_118 = vector.extract %reduce_max3A_117[15] : f32 from vector<16xf32>
        %sub3A = arith.constant 6.000000e-01 : f32
        %sub3A_119 = arith.subf %reduce_max3A_118, %sub3A : f32
        %broadcast_in_dim3A_120 = arith.constant 0 : i32
        %broadcast_in_dim3A_121 = vector.broadcast %broadcast_in_dim3A_120 : i32 to vector<16xi32>
        %scan3A_122 = arith.constant 0 : i32
        %scan3A_123 = arith.constant 16 : i32
        %scan3A_124 = arith.addi %scan3A_122, %scan3A_123 : i32
        %scan3A_125 = arith.constant 1 : i32
        %scan3A_126 = scf.for %scan3A_139 = %scan3A_122 to %scan3A_124 step %scan3A_125 iter_args(%scan3A_140 = %broadcast_in_dim3A_121) -> (vector<16xi32>)  : i32 {
          %mul3A_141 = arith.constant 8 : i32
          %mul3A_142 = arith.muli %scan3A_139, %mul3A_141 : i32
          %add3A_143 = arith.constant 0 : i32
          %add3A_144 = arith.addi %mul3A_142, %add3A_143 : i32
          %mul3A_145 = arith.constant 16 : i32
          %mul3A_146 = arith.muli %add3A_144, %mul3A_145 : i32
          %get3A = arith.constant 0 : i32
          %get3A_147 = arith.index_cast %get3A : i32 to index
          %get3A_148 = arith.index_cast %scan3A_106 : i32 to index
          %get3A_149 = arith.index_cast %mul3A_146 : i32 to index
          %get3A_150 = tpu.vector_load %arg4[%get3A_147, %get3A_148, %get3A_149] {strides = array<i32>} : memref<2x16x2048xf32, #tpu.memory_space<vmem>>, vector<16xf32>,
          %ge3A = vector.broadcast %sub3A_119 : f32 to vector<16xf32>
          %ge3A_151 = arith.cmpf oge, %get3A_150, %ge3A : vector<16xf32>
          %jit3A = arith.constant 1 : i32
          %jit3A_152 = arith.constant 0 : i32
          %broadcast_in_dim3A_153 = vector.broadcast %jit3A : i32 to vector<16xi32>
          %broadcast_in_dim3A_154 = vector.broadcast %jit3A_152 : i32 to vector<16xi32>
          %select_n3A_155 = arith.select %ge3A_151, %broadcast_in_dim3A_153, %broadcast_in_dim3A_154 : vector<16xi1>, vector<16xi32>
          %mul3A_156 = arith.constant 8 : i32
          %mul3A_157 = arith.muli %scan3A_139, %mul3A_156 : i32
          %add3A_158 = arith.constant 1 : i32
          %add3A_159 = arith.addi %mul3A_157, %add3A_158 : i32
          %mul3A_160 = arith.constant 16 : i32
          %mul3A_161 = arith.muli %add3A_159, %mul3A_160 : i32
          %get3A_162 = arith.constant 0 : i32
          %get3A_163 = arith.index_cast %get3A_162 : i32 to index
          %get3A_164 = arith.index_cast %scan3A_106 : i32 to index
          %get3A_165 = arith.index_cast %mul3A_161 : i32 to index
          %get3A_166 = tpu.vector_load %arg4[%get3A_163, %get3A_164, %get3A_165] {strides = array<i32>} : memref<2x16x2048xf32, #tpu.memory_space<vmem>>, vector<16xf32>,
          %ge3A_167 = vector.broadcast %sub3A_119 : f32 to vector<16xf32>
          %ge3A_168 = arith.cmpf oge, %get3A_166, %ge3A_167 : vector<16xf32>
          %jit3A_169 = arith.constant 1 : i32
          %jit3A_170 = arith.constant 0 : i32
          %broadcast_in_dim3A_171 = vector.broadcast %jit3A_169 : i32 to vector<16xi32>
          %broadcast_in_dim3A_172 = vector.broadcast %jit3A_170 : i32 to vector<16xi32>
          %select_n3A_173 = arith.select %ge3A_168, %broadcast_in_dim3A_171, %broadcast_in_dim3A_172 : vector<16xi1>, vector<16xi32>
          %add3A_174 = arith.addi %select_n3A_155, %select_n3A_173 : vector<16xi32>
          %mul3A_175 = arith.constant 8 : i32
          %mul3A_176 = arith.muli %scan3A_139, %mul3A_175 : i32
          %add3A_177 = arith.constant 2 : i32
          %add3A_178 = arith.addi %mul3A_176, %add3A_177 : i32
          %mul3A_179 = arith.constant 16 : i32
          %mul3A_180 = arith.muli %add3A_178, %mul3A_179 : i32
          %get3A_181 = arith.constant 0 : i32
          %get3A_182 = arith.index_cast %get3A_181 : i32 to index
          %get3A_183 = arith.index_cast %scan3A_106 : i32 to index
          %get3A_184 = arith.index_cast %mul3A_180 : i32 to index
          %get3A_185 = tpu.vector_load %arg4[%get3A_182, %get3A_183, %get3A_184] {strides = array<i32>} : memref<2x16x2048xf32, #tpu.memory_space<vmem>>, vector<16xf32>,
          %ge3A_186 = vector.broadcast %sub3A_119 : f32 to vector<16xf32>
          %ge3A_187 = arith.cmpf oge, %get3A_185, %ge3A_186 : vector<16xf32>
          %jit3A_188 = arith.constant 1 : i32
          %jit3A_189 = arith.constant 0 : i32
          %broadcast_in_dim3A_190 = vector.broadcast %jit3A_188 : i32 to vector<16xi32>
          %broadcast_in_dim3A_191 = vector.broadcast %jit3A_189 : i32 to vector<16xi32>
          %select_n3A_192 = arith.select %ge3A_187, %broadcast_in_dim3A_190, %broadcast_in_dim3A_191 : vector<16xi1>, vector<16xi32>
          %add3A_193 = arith.addi %add3A_174, %select_n3A_192 : vector<16xi32>
          %mul3A_194 = arith.constant 8 : i32
          %mul3A_195 = arith.muli %scan3A_139, %mul3A_194 : i32
          %add3A_196 = arith.constant 3 : i32
          %add3A_197 = arith.addi %mul3A_195, %add3A_196 : i32
          %mul3A_198 = arith.constant 16 : i32
          %mul3A_199 = arith.muli %add3A_197, %mul3A_198 : i32
          %get3A_200 = arith.constant 0 : i32
          %get3A_201 = arith.index_cast %get3A_200 : i32 to index
          %get3A_202 = arith.index_cast %scan3A_106 : i32 to index
          %get3A_203 = arith.index_cast %mul3A_199 : i32 to index
          %get3A_204 = tpu.vector_load %arg4[%get3A_201, %get3A_202, %get3A_203] {strides = array<i32>} : memref<2x16x2048xf32, #tpu.memory_space<vmem>>, vector<16xf32>,
          %ge3A_205 = vector.broadcast %sub3A_119 : f32 to vector<16xf32>
          %ge3A_206 = arith.cmpf oge, %get3A_204, %ge3A_205 : vector<16xf32>
          %jit3A_207 = arith.constant 1 : i32
          %jit3A_208 = arith.constant 0 : i32
          %broadcast_in_dim3A_209 = vector.broadcast %jit3A_207 : i32 to vector<16xi32>
          %broadcast_in_dim3A_210 = vector.broadcast %jit3A_208 : i32 to vector<16xi32>
          %select_n3A_211 = arith.select %ge3A_206, %broadcast_in_dim3A_209, %broadcast_in_dim3A_210 : vector<16xi1>, vector<16xi32>
          %add3A_212 = arith.addi %add3A_193, %select_n3A_211 : vector<16xi32>
          %mul3A_213 = arith.constant 8 : i32
          %mul3A_214 = arith.muli %scan3A_139, %mul3A_213 : i32
          %add3A_215 = arith.constant 4 : i32
          %add3A_216 = arith.addi %mul3A_214, %add3A_215 : i32
          %mul3A_217 = arith.constant 16 : i32
          %mul3A_218 = arith.muli %add3A_216, %mul3A_217 : i32
          %get3A_219 = arith.constant 0 : i32
          %get3A_220 = arith.index_cast %get3A_219 : i32 to index
          %get3A_221 = arith.index_cast %scan3A_106 : i32 to index
          %get3A_222 = arith.index_cast %mul3A_218 : i32 to index
          %get3A_223 = tpu.vector_load %arg4[%get3A_220, %get3A_221, %get3A_222] {strides = array<i32>} : memref<2x16x2048xf32, #tpu.memory_space<vmem>>, vector<16xf32>,
          %ge3A_224 = vector.broadcast %sub3A_119 : f32 to vector<16xf32>
          %ge3A_225 = arith.cmpf oge, %get3A_223, %ge3A_224 : vector<16xf32>
          %jit3A_226 = arith.constant 1 : i32
          %jit3A_227 = arith.constant 0 : i32
          %broadcast_in_dim3A_228 = vector.broadcast %jit3A_226 : i32 to vector<16xi32>
          %broadcast_in_dim3A_229 = vector.broadcast %jit3A_227 : i32 to vector<16xi32>
          %select_n3A_230 = arith.select %ge3A_225, %broadcast_in_dim3A_228, %broadcast_in_dim3A_229 : vector<16xi1>, vector<16xi32>
          %add3A_231 = arith.addi %add3A_212, %select_n3A_230 : vector<16xi32>
          %mul3A_232 = arith.constant 8 : i32
          %mul3A_233 = arith.muli %scan3A_139, %mul3A_232 : i32
          %add3A_234 = arith.constant 5 : i32
          %add3A_235 = arith.addi %mul3A_233, %add3A_234 : i32
          %mul3A_236 = arith.constant 16 : i32
          %mul3A_237 = arith.muli %add3A_235, %mul3A_236 : i32
          %get3A_238 = arith.constant 0 : i32
          %get3A_239 = arith.index_cast %get3A_238 : i32 to index
          %get3A_240 = arith.index_cast %scan3A_106 : i32 to index
          %get3A_241 = arith.index_cast %mul3A_237 : i32 to index
          %get3A_242 = tpu.vector_load %arg4[%get3A_239, %get3A_240, %get3A_241] {strides = array<i32>} : memref<2x16x2048xf32, #tpu.memory_space<vmem>>, vector<16xf32>,
          %ge3A_243 = vector.broadcast %sub3A_119 : f32 to vector<16xf32>
          %ge3A_244 = arith.cmpf oge, %get3A_242, %ge3A_243 : vector<16xf32>
          %jit3A_245 = arith.constant 1 : i32
          %jit3A_246 = arith.constant 0 : i32
          %broadcast_in_dim3A_247 = vector.broadcast %jit3A_245 : i32 to vector<16xi32>
          %broadcast_in_dim3A_248 = vector.broadcast %jit3A_246 : i32 to vector<16xi32>
          %select_n3A_249 = arith.select %ge3A_244, %broadcast_in_dim3A_247, %broadcast_in_dim3A_248 : vector<16xi1>, vector<16xi32>
          %add3A_250 = arith.addi %add3A_231, %select_n3A_249 : vector<16xi32>
          %mul3A_251 = arith.constant 8 : i32
          %mul3A_252 = arith.muli %scan3A_139, %mul3A_251 : i32
          %add3A_253 = arith.constant 6 : i32
          %add3A_254 = arith.addi %mul3A_252, %add3A_253 : i32
          %mul3A_255 = arith.constant 16 : i32
          %mul3A_256 = arith.muli %add3A_254, %mul3A_255 : i32
          %get3A_257 = arith.constant 0 : i32
          %get3A_258 = arith.index_cast %get3A_257 : i32 to index
          %get3A_259 = arith.index_cast %scan3A_106 : i32 to index
          %get3A_260 = arith.index_cast %mul3A_256 : i32 to index
          %get3A_261 = tpu.vector_load %arg4[%get3A_258, %get3A_259, %get3A_260] {strides = array<i32>} : memref<2x16x2048xf32, #tpu.memory_space<vmem>>, vector<16xf32>,
          %ge3A_262 = vector.broadcast %sub3A_119 : f32 to vector<16xf32>
          %ge3A_263 = arith.cmpf oge, %get3A_261, %ge3A_262 : vector<16xf32>
          %jit3A_264 = arith.constant 1 : i32
          %jit3A_265 = arith.constant 0 : i32
          %broadcast_in_dim3A_266 = vector.broadcast %jit3A_264 : i32 to vector<16xi32>
          %broadcast_in_dim3A_267 = vector.broadcast %jit3A_265 : i32 to vector<16xi32>
          %select_n3A_268 = arith.select %ge3A_263, %broadcast_in_dim3A_266, %broadcast_in_dim3A_267 : vector<16xi1>, vector<16xi32>
          %add3A_269 = arith.addi %add3A_250, %select_n3A_268 : vector<16xi32>
          %mul3A_270 = arith.constant 8 : i32
          %mul3A_271 = arith.muli %scan3A_139, %mul3A_270 : i32
          %add3A_272 = arith.constant 7 : i32
          %add3A_273 = arith.addi %mul3A_271, %add3A_272 : i32
          %mul3A_274 = arith.constant 16 : i32
          %mul3A_275 = arith.muli %add3A_273, %mul3A_274 : i32
          %get3A_276 = arith.constant 0 : i32
          %get3A_277 = arith.index_cast %get3A_276 : i32 to index
          %get3A_278 = arith.index_cast %scan3A_106 : i32 to index
          %get3A_279 = arith.index_cast %mul3A_275 : i32 to index
          %get3A_280 = tpu.vector_load %arg4[%get3A_277, %get3A_278, %get3A_279] {strides = array<i32>} : memref<2x16x2048xf32, #tpu.memory_space<vmem>>, vector<16xf32>,
          %ge3A_281 = vector.broadcast %sub3A_119 : f32 to vector<16xf32>
          %ge3A_282 = arith.cmpf oge, %get3A_280, %ge3A_281 : vector<16xf32>
          %jit3A_283 = arith.constant 1 : i32
          %jit3A_284 = arith.constant 0 : i32
          %broadcast_in_dim3A_285 = vector.broadcast %jit3A_283 : i32 to vector<16xi32>
          %broadcast_in_dim3A_286 = vector.broadcast %jit3A_284 : i32 to vector<16xi32>
          %select_n3A_287 = arith.select %ge3A_282, %broadcast_in_dim3A_285, %broadcast_in_dim3A_286 : vector<16xi1>, vector<16xi32>
          %add3A_288 = arith.addi %add3A_269, %select_n3A_287 : vector<16xi32>
          %add3A_289 = arith.addi %scan3A_140, %add3A_288 : vector<16xi32>
          scf.yield %add3A_289 : vector<16xi32>
        }
        %scan3A_127 = arith.constant 16 : i32
        %reduce_sum3A = arith.constant true
        %reduce_sum3A_128 = vector.broadcast %reduce_sum3A : i1 to vector<16xi1>
        %reduce_sum3A_129 = tpu.scan <sum>, %scan3A_126 masked %reduce_sum3A_128 : vector<16xi32>, vector<16xi1> -> vector<16xi32>
        %reduce_sum3A_130 = vector.extract %reduce_sum3A_129[15] : i32 from vector<16xi32>
        %gt3A = arith.constant 32 : i32
        %gt3A_131 = arith.cmpi sgt, %reduce_sum3A_130, %gt3A : i32
        %convert_element_type3A_132 = arith.extui %gt3A_131 : i1 to i32
        %cond3A_133 = arith.constant 0 : i32
        %cond3A_134 = arith.constant 0 : i32
        %cond3A_135 = arith.cmpi ne, %convert_element_type3A_132, %cond3A_134 : i32
        %cond3A_136 = scf.if %cond3A_135 -> (f32) {
          %add3A_139 = arith.constant 1.000000e+00 : f32
          %add3A_140 = arith.addf %reduce_max3A_118, %add3A_139 : f32
          %scan3A_141 = arith.constant 0 : i32
          %scan3A_142 = arith.constant 20 : i32
          %scan3A_143 = arith.addi %scan3A_141, %scan3A_142 : i32
          %scan3A_144 = arith.constant 1 : i32
          %scan3A_145:2 = scf.for %scan3A_147 = %scan3A_141 to %scan3A_143 step %scan3A_144 iter_args(%scan3A_148 = %sub3A_119, %scan3A_149 = %add3A_140) -> (f32, f32)  : i32 {
            %add3A_150 = arith.addf %scan3A_148, %scan3A_149 : f32
            %mul3A_151 = arith.constant 5.000000e-01 : f32
            %mul3A_152 = arith.mulf %mul3A_151, %add3A_150 : f32
            %broadcast_in_dim3A_153 = arith.constant 0 : i32
            %broadcast_in_dim3A_154 = vector.broadcast %broadcast_in_dim3A_153 : i32 to vector<16xi32>
            %scan3A_155 = arith.constant 0 : i32
            %scan3A_156 = arith.constant 16 : i32
            %scan3A_157 = arith.addi %scan3A_155, %scan3A_156 : i32
            %scan3A_158 = arith.constant 1 : i32
            %scan3A_159 = scf.for %scan3A_169 = %scan3A_155 to %scan3A_157 step %scan3A_158 iter_args(%scan3A_170 = %broadcast_in_dim3A_154) -> (vector<16xi32>)  : i32 {
              %mul3A_171 = arith.constant 8 : i32
              %mul3A_172 = arith.muli %scan3A_169, %mul3A_171 : i32
              %add3A_173 = arith.constant 0 : i32
              %add3A_174 = arith.addi %mul3A_172, %add3A_173 : i32
              %mul3A_175 = arith.constant 16 : i32
              %mul3A_176 = arith.muli %add3A_174, %mul3A_175 : i32
              %get3A = arith.constant 0 : i32
              %get3A_177 = arith.index_cast %get3A : i32 to index
              %get3A_178 = arith.index_cast %scan3A_106 : i32 to index
              %get3A_179 = arith.index_cast %mul3A_176 : i32 to index
              %get3A_180 = tpu.vector_load %arg4[%get3A_177, %get3A_178, %get3A_179] {strides = array<i32>} : memref<2x16x2048xf32, #tpu.memory_space<vmem>>, vector<16xf32>,
              %ge3A = vector.broadcast %mul3A_152 : f32 to vector<16xf32>
              %ge3A_181 = arith.cmpf oge, %get3A_180, %ge3A : vector<16xf32>
              %jit3A = arith.constant 1 : i32
              %jit3A_182 = arith.constant 0 : i32
              %broadcast_in_dim3A_183 = vector.broadcast %jit3A : i32 to vector<16xi32>
              %broadcast_in_dim3A_184 = vector.broadcast %jit3A_182 : i32 to vector<16xi32>
              %select_n3A_185 = arith.select %ge3A_181, %broadcast_in_dim3A_183, %broadcast_in_dim3A_184 : vector<16xi1>, vector<16xi32>
              %mul3A_186 = arith.constant 8 : i32
              %mul3A_187 = arith.muli %scan3A_169, %mul3A_186 : i32
              %add3A_188 = arith.constant 1 : i32
              %add3A_189 = arith.addi %mul3A_187, %add3A_188 : i32
              %mul3A_190 = arith.constant 16 : i32
              %mul3A_191 = arith.muli %add3A_189, %mul3A_190 : i32
              %get3A_192 = arith.constant 0 : i32
              %get3A_193 = arith.index_cast %get3A_192 : i32 to index
              %get3A_194 = arith.index_cast %scan3A_106 : i32 to index
              %get3A_195 = arith.index_cast %mul3A_191 : i32 to index
              %get3A_196 = tpu.vector_load %arg4[%get3A_193, %get3A_194, %get3A_195] {strides = array<i32>} : memref<2x16x2048xf32, #tpu.memory_space<vmem>>, vector<16xf32>,
              %ge3A_197 = vector.broadcast %mul3A_152 : f32 to vector<16xf32>
              %ge3A_198 = arith.cmpf oge, %get3A_196, %ge3A_197 : vector<16xf32>
              %jit3A_199 = arith.constant 1 : i32
              %jit3A_200 = arith.constant 0 : i32
              %broadcast_in_dim3A_201 = vector.broadcast %jit3A_199 : i32 to vector<16xi32>
              %broadcast_in_dim3A_202 = vector.broadcast %jit3A_200 : i32 to vector<16xi32>
              %select_n3A_203 = arith.select %ge3A_198, %broadcast_in_dim3A_201, %broadcast_in_dim3A_202 : vector<16xi1>, vector<16xi32>
              %add3A_204 = arith.addi %select_n3A_185, %select_n3A_203 : vector<16xi32>
              %mul3A_205 = arith.constant 8 : i32
              %mul3A_206 = arith.muli %scan3A_169, %mul3A_205 : i32
              %add3A_207 = arith.constant 2 : i32
              %add3A_208 = arith.addi %mul3A_206, %add3A_207 : i32
              %mul3A_209 = arith.constant 16 : i32
              %mul3A_210 = arith.muli %add3A_208, %mul3A_209 : i32
              %get3A_211 = arith.constant 0 : i32
              %get3A_212 = arith.index_cast %get3A_211 : i32 to index
              %get3A_213 = arith.index_cast %scan3A_106 : i32 to index
              %get3A_214 = arith.index_cast %mul3A_210 : i32 to index
              %get3A_215 = tpu.vector_load %arg4[%get3A_212, %get3A_213, %get3A_214] {strides = array<i32>} : memref<2x16x2048xf32, #tpu.memory_space<vmem>>, vector<16xf32>,
              %ge3A_216 = vector.broadcast %mul3A_152 : f32 to vector<16xf32>
              %ge3A_217 = arith.cmpf oge, %get3A_215, %ge3A_216 : vector<16xf32>
              %jit3A_218 = arith.constant 1 : i32
              %jit3A_219 = arith.constant 0 : i32
              %broadcast_in_dim3A_220 = vector.broadcast %jit3A_218 : i32 to vector<16xi32>
              %broadcast_in_dim3A_221 = vector.broadcast %jit3A_219 : i32 to vector<16xi32>
              %select_n3A_222 = arith.select %ge3A_217, %broadcast_in_dim3A_220, %broadcast_in_dim3A_221 : vector<16xi1>, vector<16xi32>
              %add3A_223 = arith.addi %add3A_204, %select_n3A_222 : vector<16xi32>
              %mul3A_224 = arith.constant 8 : i32
              %mul3A_225 = arith.muli %scan3A_169, %mul3A_224 : i32
              %add3A_226 = arith.constant 3 : i32
              %add3A_227 = arith.addi %mul3A_225, %add3A_226 : i32
              %mul3A_228 = arith.constant 16 : i32
              %mul3A_229 = arith.muli %add3A_227, %mul3A_228 : i32
              %get3A_230 = arith.constant 0 : i32
              %get3A_231 = arith.index_cast %get3A_230 : i32 to index
              %get3A_232 = arith.index_cast %scan3A_106 : i32 to index
              %get3A_233 = arith.index_cast %mul3A_229 : i32 to index
              %get3A_234 = tpu.vector_load %arg4[%get3A_231, %get3A_232, %get3A_233] {strides = array<i32>} : memref<2x16x2048xf32, #tpu.memory_space<vmem>>, vector<16xf32>,
              %ge3A_235 = vector.broadcast %mul3A_152 : f32 to vector<16xf32>
              %ge3A_236 = arith.cmpf oge, %get3A_234, %ge3A_235 : vector<16xf32>
              %jit3A_237 = arith.constant 1 : i32
              %jit3A_238 = arith.constant 0 : i32
              %broadcast_in_dim3A_239 = vector.broadcast %jit3A_237 : i32 to vector<16xi32>
              %broadcast_in_dim3A_240 = vector.broadcast %jit3A_238 : i32 to vector<16xi32>
              %select_n3A_241 = arith.select %ge3A_236, %broadcast_in_dim3A_239, %broadcast_in_dim3A_240 : vector<16xi1>, vector<16xi32>
              %add3A_242 = arith.addi %add3A_223, %select_n3A_241 : vector<16xi32>
              %mul3A_243 = arith.constant 8 : i32
              %mul3A_244 = arith.muli %scan3A_169, %mul3A_243 : i32
              %add3A_245 = arith.constant 4 : i32
              %add3A_246 = arith.addi %mul3A_244, %add3A_245 : i32
              %mul3A_247 = arith.constant 16 : i32
              %mul3A_248 = arith.muli %add3A_246, %mul3A_247 : i32
              %get3A_249 = arith.constant 0 : i32
              %get3A_250 = arith.index_cast %get3A_249 : i32 to index
              %get3A_251 = arith.index_cast %scan3A_106 : i32 to index
              %get3A_252 = arith.index_cast %mul3A_248 : i32 to index
              %get3A_253 = tpu.vector_load %arg4[%get3A_250, %get3A_251, %get3A_252] {strides = array<i32>} : memref<2x16x2048xf32, #tpu.memory_space<vmem>>, vector<16xf32>,
              %ge3A_254 = vector.broadcast %mul3A_152 : f32 to vector<16xf32>
              %ge3A_255 = arith.cmpf oge, %get3A_253, %ge3A_254 : vector<16xf32>
              %jit3A_256 = arith.constant 1 : i32
              %jit3A_257 = arith.constant 0 : i32
              %broadcast_in_dim3A_258 = vector.broadcast %jit3A_256 : i32 to vector<16xi32>
              %broadcast_in_dim3A_259 = vector.broadcast %jit3A_257 : i32 to vector<16xi32>
              %select_n3A_260 = arith.select %ge3A_255, %broadcast_in_dim3A_258, %broadcast_in_dim3A_259 : vector<16xi1>, vector<16xi32>
              %add3A_261 = arith.addi %add3A_242, %select_n3A_260 : vector<16xi32>
              %mul3A_262 = arith.constant 8 : i32
              %mul3A_263 = arith.muli %scan3A_169, %mul3A_262 : i32
              %add3A_264 = arith.constant 5 : i32
              %add3A_265 = arith.addi %mul3A_263, %add3A_264 : i32
              %mul3A_266 = arith.constant 16 : i32
              %mul3A_267 = arith.muli %add3A_265, %mul3A_266 : i32
              %get3A_268 = arith.constant 0 : i32
              %get3A_269 = arith.index_cast %get3A_268 : i32 to index
              %get3A_270 = arith.index_cast %scan3A_106 : i32 to index
              %get3A_271 = arith.index_cast %mul3A_267 : i32 to index
              %get3A_272 = tpu.vector_load %arg4[%get3A_269, %get3A_270, %get3A_271] {strides = array<i32>} : memref<2x16x2048xf32, #tpu.memory_space<vmem>>, vector<16xf32>,
              %ge3A_273 = vector.broadcast %mul3A_152 : f32 to vector<16xf32>
              %ge3A_274 = arith.cmpf oge, %get3A_272, %ge3A_273 : vector<16xf32>
              %jit3A_275 = arith.constant 1 : i32
              %jit3A_276 = arith.constant 0 : i32
              %broadcast_in_dim3A_277 = vector.broadcast %jit3A_275 : i32 to vector<16xi32>
              %broadcast_in_dim3A_278 = vector.broadcast %jit3A_276 : i32 to vector<16xi32>
              %select_n3A_279 = arith.select %ge3A_274, %broadcast_in_dim3A_277, %broadcast_in_dim3A_278 : vector<16xi1>, vector<16xi32>
              %add3A_280 = arith.addi %add3A_261, %select_n3A_279 : vector<16xi32>
              %mul3A_281 = arith.constant 8 : i32
              %mul3A_282 = arith.muli %scan3A_169, %mul3A_281 : i32
              %add3A_283 = arith.constant 6 : i32
              %add3A_284 = arith.addi %mul3A_282, %add3A_283 : i32
              %mul3A_285 = arith.constant 16 : i32
              %mul3A_286 = arith.muli %add3A_284, %mul3A_285 : i32
              %get3A_287 = arith.constant 0 : i32
              %get3A_288 = arith.index_cast %get3A_287 : i32 to index
              %get3A_289 = arith.index_cast %scan3A_106 : i32 to index
              %get3A_290 = arith.index_cast %mul3A_286 : i32 to index
              %get3A_291 = tpu.vector_load %arg4[%get3A_288, %get3A_289, %get3A_290] {strides = array<i32>} : memref<2x16x2048xf32, #tpu.memory_space<vmem>>, vector<16xf32>,
              %ge3A_292 = vector.broadcast %mul3A_152 : f32 to vector<16xf32>
              %ge3A_293 = arith.cmpf oge, %get3A_291, %ge3A_292 : vector<16xf32>
              %jit3A_294 = arith.constant 1 : i32
              %jit3A_295 = arith.constant 0 : i32
              %broadcast_in_dim3A_296 = vector.broadcast %jit3A_294 : i32 to vector<16xi32>
              %broadcast_in_dim3A_297 = vector.broadcast %jit3A_295 : i32 to vector<16xi32>
              %select_n3A_298 = arith.select %ge3A_293, %broadcast_in_dim3A_296, %broadcast_in_dim3A_297 : vector<16xi1>, vector<16xi32>
              %add3A_299 = arith.addi %add3A_280, %select_n3A_298 : vector<16xi32>
              %mul3A_300 = arith.constant 8 : i32
              %mul3A_301 = arith.muli %scan3A_169, %mul3A_300 : i32
              %add3A_302 = arith.constant 7 : i32
              %add3A_303 = arith.addi %mul3A_301, %add3A_302 : i32
              %mul3A_304 = arith.constant 16 : i32
              %mul3A_305 = arith.muli %add3A_303, %mul3A_304 : i32
              %get3A_306 = arith.constant 0 : i32
              %get3A_307 = arith.index_cast %get3A_306 : i32 to index
              %get3A_308 = arith.index_cast %scan3A_106 : i32 to index
              %get3A_309 = arith.index_cast %mul3A_305 : i32 to index
              %get3A_310 = tpu.vector_load %arg4[%get3A_307, %get3A_308, %get3A_309] {strides = array<i32>} : memref<2x16x2048xf32, #tpu.memory_space<vmem>>, vector<16xf32>,
              %ge3A_311 = vector.broadcast %mul3A_152 : f32 to vector<16xf32>
              %ge3A_312 = arith.cmpf oge, %get3A_310, %ge3A_311 : vector<16xf32>
              %jit3A_313 = arith.constant 1 : i32
              %jit3A_314 = arith.constant 0 : i32
              %broadcast_in_dim3A_315 = vector.broadcast %jit3A_313 : i32 to vector<16xi32>
              %broadcast_in_dim3A_316 = vector.broadcast %jit3A_314 : i32 to vector<16xi32>
              %select_n3A_317 = arith.select %ge3A_312, %broadcast_in_dim3A_315, %broadcast_in_dim3A_316 : vector<16xi1>, vector<16xi32>
              %add3A_318 = arith.addi %add3A_299, %select_n3A_317 : vector<16xi32>
              %add3A_319 = arith.addi %scan3A_170, %add3A_318 : vector<16xi32>
              scf.yield %add3A_319 : vector<16xi32>
            }
            %scan3A_160 = arith.constant 16 : i32
            %reduce_sum3A_161 = arith.constant true
            %reduce_sum3A_162 = vector.broadcast %reduce_sum3A_161 : i1 to vector<16xi1>
            %reduce_sum3A_163 = tpu.scan <sum>, %scan3A_159 masked %reduce_sum3A_162 : vector<16xi32>, vector<16xi1> -> vector<16xi32>
            %reduce_sum3A_164 = vector.extract %reduce_sum3A_163[15] : i32 from vector<16xi32>
            %gt3A_165 = arith.constant 32 : i32
            %gt3A_166 = arith.cmpi sgt, %reduce_sum3A_164, %gt3A_165 : i32
            %select_n3A_167 = arith.select %gt3A_166, %mul3A_152, %scan3A_148 : f32
            %select_n3A_168 = arith.select %gt3A_166, %scan3A_149, %mul3A_152 : f32
            scf.yield %select_n3A_167, %select_n3A_168 : f32, f32
          }
          %scan3A_146 = arith.constant 20 : i32
          scf.yield %scan3A_145#1 : f32
        } else {
          scf.yield %sub3A_119 : f32
        }
        %eq3A = vector.broadcast %scan3A_106 : i32 to vector<16xi32>
        %eq3A_137 = arith.cmpi eq, %iota3A, %eq3A : vector<16xi32>
        %broadcast_in_dim3A_138 = vector.broadcast %cond3A_136 : f32 to vector<16xf32>
        %select_n3A = arith.select %eq3A_137, %broadcast_in_dim3A_138, %scan3A_107 : vector<16xi1>, vector<16xf32>
        scf.yield %select_n3A : vector<16xf32>
      }
      %scan3A_60 = arith.constant 16 : i32
      %mul3A_61 = arith.constant 16 : i32
      %mul3A_62 = arith.muli %add3A_32, %mul3A_61 : i32
      %swap3A = arith.index_cast %mul3A_62 : i32 to index
      %swap3A_63 = tpu.vector_load %arg5[%swap3A] {strides = array<i32>} : memref<1024xf32, #tpu.memory_space<vmem>>, vector<16xf32>,
      tpu.vector_store %arg5[%swap3A], %scan3A_59 {strides = array<i32>} : memref<1024xf32, #tpu.memory_space<vmem>>, vector<16xf32>,
      %mul3A_64 = arith.constant 2 : i32
      %mul3A_65 = arith.muli %scan3A_27, %mul3A_64 : i32
      %add3A_66 = arith.constant 1 : i32
      %add3A_67 = arith.addi %mul3A_65, %add3A_66 : i32
      %mul3A_68 = arith.constant 64 : i32
      %mul3A_69 = arith.muli %add3A, %mul3A_68 : i32
      %add3A_70 = arith.addi %mul3A_69, %add3A_67 : i32
      %mul3A_71 = arith.constant 16 : i32
      %mul3A_72 = arith.muli %add3A_70, %mul3A_71 : i32
      %dma_wait3A_73 = arith.constant 1 : i32
      %dma_wait3A_74 = arith.constant 0 : i32
      %dma_wait3A_75 = arith.constant 0 : i32
      %dma_wait3A_76 = tpu.memref_slice %arg4[%dma_wait3A_73, %dma_wait3A_74, %dma_wait3A_75] : memref<2x16x2048xf32, #tpu.memory_space<vmem>> -> memref<1x16x2048xf32, #tpu.memory_space<vmem>>
      %dma_wait3A_77 = tpu.memref_squeeze %dma_wait3A_76 : memref<1x16x2048xf32, #tpu.memory_space<vmem>> -> memref<16x2048xf32, #tpu.memory_space<vmem>>
      %dma_wait3A_78 = arith.constant 0 : i32
      %dma_wait3A_79 = tpu.memref_slice %arg2[%mul3A_72, %dma_wait3A_78] : memref<32768x2048xf32, #tpu.memory_space<hbm>> -> memref<16x2048xf32, #tpu.memory_space<hbm>>
      %dma_wait3A_80 = arith.constant 0 : i32
      %dma_wait3A_81 = arith.constant 0 : i32
      %dma_wait3A_82 = tpu.memref_slice %arg4[%dma_wait3A_73, %dma_wait3A_80, %dma_wait3A_81] : memref<2x16x2048xf32, #tpu.memory_space<vmem>> -> memref<1x16x2048xf32, #tpu.memory_space<vmem>>
      %dma_wait3A_83 = tpu.memref_squeeze %dma_wait3A_82 : memref<1x16x2048xf32, #tpu.memory_space<vmem>> -> memref<16x2048xf32, #tpu.memory_space<vmem>>
      %dma_wait3A_84 = arith.constant 0 : i32
      %dma_wait3A_85 = tpu.memref_slice %arg2[%mul3A_72, %dma_wait3A_84] : memref<32768x2048xf32, #tpu.memory_space<hbm>> -> memref<16x2048xf32, #tpu.memory_space<hbm>>
      tpu.wait_dma2 semaphore(%arg7 : memref<!tpu.dma_semaphore, #tpu.memory_space<semaphore_mem>>) src(%dma_wait3A_85 : memref<16x2048xf32, #tpu.memory_space<hbm>>) dst(%dma_wait3A_83 : memref<16x2048xf32, #tpu.memory_space<vmem>>)
      %add3A_86 = arith.constant 1 : i32
      %add3A_87 = arith.addi %add3A_67, %add3A_86 : i32
      %lt3A_88 = arith.constant 64 : i32
      %lt3A_89 = arith.cmpi slt, %add3A_87, %lt3A_88 : i32
      %convert_element_type3A_90 = arith.extui %lt3A_89 : i1 to i32
      %cond3A_91 = arith.constant 0 : i32
      %cond3A_92 = arith.cmpi ne, %convert_element_type3A_90, %cond3A_91 : i32
      scf.if %cond3A_92 {
        %add3A_106 = arith.constant 1 : i32
        %add3A_107 = arith.addi %add3A_67, %add3A_106 : i32
        %mul3A_108 = arith.constant 64 : i32
        %mul3A_109 = arith.muli %add3A, %mul3A_108 : i32
        %add3A_110 = arith.addi %mul3A_109, %add3A_107 : i32
        %mul3A_111 = arith.constant 16 : i32
        %mul3A_112 = arith.muli %add3A_110, %mul3A_111 : i32
        %dma_start3A_113 = arith.constant 0 : i32
        %dma_start3A_114 = arith.constant 0 : i32
        %dma_start3A_115 = arith.constant 0 : i32
        %dma_start3A_116 = tpu.memref_slice %arg4[%dma_start3A_113, %dma_start3A_114, %dma_start3A_115] : memref<2x16x2048xf32, #tpu.memory_space<vmem>> -> memref<1x16x2048xf32, #tpu.memory_space<vmem>>
        %dma_start3A_117 = tpu.memref_squeeze %dma_start3A_116 : memref<1x16x2048xf32, #tpu.memory_space<vmem>> -> memref<16x2048xf32, #tpu.memory_space<vmem>>
        %dma_start3A_118 = arith.constant 0 : i32
        %dma_start3A_119 = tpu.memref_slice %arg2[%mul3A_112, %dma_start3A_118] : memref<32768x2048xf32, #tpu.memory_space<hbm>> -> memref<16x2048xf32, #tpu.memory_space<hbm>>
        %dma_start3A_120 = arith.constant 0 : i32
        %dma_start3A_121 = arith.constant 0 : i32
        %dma_start3A_122 = tpu.memref_slice %arg4[%dma_start3A_113, %dma_start3A_120, %dma_start3A_121] : memref<2x16x2048xf32, #tpu.memory_space<vmem>> -> memref<1x16x2048xf32, #tpu.memory_space<vmem>>
        %dma_start3A_123 = tpu.memref_squeeze %dma_start3A_122 : memref<1x16x2048xf32, #tpu.memory_space<vmem>> -> memref<16x2048xf32, #tpu.memory_space<vmem>>
        %dma_start3A_124 = arith.constant 0 : i32
        %dma_start3A_125 = tpu.memref_slice %arg2[%mul3A_112, %dma_start3A_124] : memref<32768x2048xf32, #tpu.memory_space<hbm>> -> memref<16x2048xf32, #tpu.memory_space<hbm>>
        tpu.enqueue_dma source(%dma_start3A_125 : memref<16x2048xf32, #tpu.memory_space<hbm>>) target(%dma_start3A_123 : memref<16x2048xf32, #tpu.memory_space<vmem>>) target_semaphore(%arg6 : memref<!tpu.dma_semaphore, #tpu.memory_space<semaphore_mem>>)
      } else {
      }
      %broadcast_in_dim3A_93 = arith.constant 0.000000e+00 : f32
      %broadcast_in_dim3A_94 = vector.broadcast %broadcast_in_dim3A_93 : f32 to vector<16xf32>
      %scan3A_95 = arith.constant 0 : i32
      %scan3A_96 = arith.constant 16 : i32
      %scan3A_97 = arith.addi %scan3A_95, %scan3A_96 : i32
      %scan3A_98 = arith.constant 1 : i32
      %scan3A_99 = scf.for %scan3A_106 = %scan3A_95 to %scan3A_97 step %scan3A_98 iter_args(%scan3A_107 = %broadcast_in_dim3A_94) -> (vector<16xf32>)  : i32 {
        %broadcast_in_dim3A_108 = arith.constant -1.000000e+30 : f32
        %broadcast_in_dim3A_109 = vector.broadcast %broadcast_in_dim3A_108 : f32 to vector<16xf32>
        %scan3A_110 = arith.constant 0 : i32
        %scan3A_111 = arith.constant 16 : i32
        %scan3A_112 = arith.addi %scan3A_110, %scan3A_111 : i32
        %scan3A_113 = arith.constant 1 : i32
        %scan3A_114 = scf.for %scan3A_139 = %scan3A_110 to %scan3A_112 step %scan3A_113 iter_args(%scan3A_140 = %broadcast_in_dim3A_109) -> (vector<16xf32>)  : i32 {
          %mul3A_141 = arith.constant 8 : i32
          %mul3A_142 = arith.muli %scan3A_139, %mul3A_141 : i32
          %add3A_143 = arith.constant 0 : i32
          %add3A_144 = arith.addi %mul3A_142, %add3A_143 : i32
          %mul3A_145 = arith.constant 16 : i32
          %mul3A_146 = arith.muli %add3A_144, %mul3A_145 : i32
          %get3A = arith.constant 1 : i32
          %get3A_147 = arith.index_cast %get3A : i32 to index
          %get3A_148 = arith.index_cast %scan3A_106 : i32 to index
          %get3A_149 = arith.index_cast %mul3A_146 : i32 to index
          %get3A_150 = tpu.vector_load %arg4[%get3A_147, %get3A_148, %get3A_149] {strides = array<i32>} : memref<2x16x2048xf32, #tpu.memory_space<vmem>>, vector<16xf32>,
          %max3A = arith.maximumf %scan3A_140, %get3A_150 : vector<16xf32>
          %mul3A_151 = arith.constant 8 : i32
          %mul3A_152 = arith.muli %scan3A_139, %mul3A_151 : i32
          %add3A_153 = arith.constant 1 : i32
          %add3A_154 = arith.addi %mul3A_152, %add3A_153 : i32
          %mul3A_155 = arith.constant 16 : i32
          %mul3A_156 = arith.muli %add3A_154, %mul3A_155 : i32
          %get3A_157 = arith.constant 1 : i32
          %get3A_158 = arith.index_cast %get3A_157 : i32 to index
          %get3A_159 = arith.index_cast %scan3A_106 : i32 to index
          %get3A_160 = arith.index_cast %mul3A_156 : i32 to index
          %get3A_161 = tpu.vector_load %arg4[%get3A_158, %get3A_159, %get3A_160] {strides = array<i32>} : memref<2x16x2048xf32, #tpu.memory_space<vmem>>, vector<16xf32>,
          %max3A_162 = arith.maximumf %max3A, %get3A_161 : vector<16xf32>
          %mul3A_163 = arith.constant 8 : i32
          %mul3A_164 = arith.muli %scan3A_139, %mul3A_163 : i32
          %add3A_165 = arith.constant 2 : i32
          %add3A_166 = arith.addi %mul3A_164, %add3A_165 : i32
          %mul3A_167 = arith.constant 16 : i32
          %mul3A_168 = arith.muli %add3A_166, %mul3A_167 : i32
          %get3A_169 = arith.constant 1 : i32
          %get3A_170 = arith.index_cast %get3A_169 : i32 to index
          %get3A_171 = arith.index_cast %scan3A_106 : i32 to index
          %get3A_172 = arith.index_cast %mul3A_168 : i32 to index
          %get3A_173 = tpu.vector_load %arg4[%get3A_170, %get3A_171, %get3A_172] {strides = array<i32>} : memref<2x16x2048xf32, #tpu.memory_space<vmem>>, vector<16xf32>,
          %max3A_174 = arith.maximumf %max3A_162, %get3A_173 : vector<16xf32>
          %mul3A_175 = arith.constant 8 : i32
          %mul3A_176 = arith.muli %scan3A_139, %mul3A_175 : i32
          %add3A_177 = arith.constant 3 : i32
          %add3A_178 = arith.addi %mul3A_176, %add3A_177 : i32
          %mul3A_179 = arith.constant 16 : i32
          %mul3A_180 = arith.muli %add3A_178, %mul3A_179 : i32
          %get3A_181 = arith.constant 1 : i32
          %get3A_182 = arith.index_cast %get3A_181 : i32 to index
          %get3A_183 = arith.index_cast %scan3A_106 : i32 to index
          %get3A_184 = arith.index_cast %mul3A_180 : i32 to index
          %get3A_185 = tpu.vector_load %arg4[%get3A_182, %get3A_183, %get3A_184] {strides = array<i32>} : memref<2x16x2048xf32, #tpu.memory_space<vmem>>, vector<16xf32>,
          %max3A_186 = arith.maximumf %max3A_174, %get3A_185 : vector<16xf32>
          %mul3A_187 = arith.constant 8 : i32
          %mul3A_188 = arith.muli %scan3A_139, %mul3A_187 : i32
          %add3A_189 = arith.constant 4 : i32
          %add3A_190 = arith.addi %mul3A_188, %add3A_189 : i32
          %mul3A_191 = arith.constant 16 : i32
          %mul3A_192 = arith.muli %add3A_190, %mul3A_191 : i32
          %get3A_193 = arith.constant 1 : i32
          %get3A_194 = arith.index_cast %get3A_193 : i32 to index
          %get3A_195 = arith.index_cast %scan3A_106 : i32 to index
          %get3A_196 = arith.index_cast %mul3A_192 : i32 to index
          %get3A_197 = tpu.vector_load %arg4[%get3A_194, %get3A_195, %get3A_196] {strides = array<i32>} : memref<2x16x2048xf32, #tpu.memory_space<vmem>>, vector<16xf32>,
          %max3A_198 = arith.maximumf %max3A_186, %get3A_197 : vector<16xf32>
          %mul3A_199 = arith.constant 8 : i32
          %mul3A_200 = arith.muli %scan3A_139, %mul3A_199 : i32
          %add3A_201 = arith.constant 5 : i32
          %add3A_202 = arith.addi %mul3A_200, %add3A_201 : i32
          %mul3A_203 = arith.constant 16 : i32
          %mul3A_204 = arith.muli %add3A_202, %mul3A_203 : i32
          %get3A_205 = arith.constant 1 : i32
          %get3A_206 = arith.index_cast %get3A_205 : i32 to index
          %get3A_207 = arith.index_cast %scan3A_106 : i32 to index
          %get3A_208 = arith.index_cast %mul3A_204 : i32 to index
          %get3A_209 = tpu.vector_load %arg4[%get3A_206, %get3A_207, %get3A_208] {strides = array<i32>} : memref<2x16x2048xf32, #tpu.memory_space<vmem>>, vector<16xf32>,
          %max3A_210 = arith.maximumf %max3A_198, %get3A_209 : vector<16xf32>
          %mul3A_211 = arith.constant 8 : i32
          %mul3A_212 = arith.muli %scan3A_139, %mul3A_211 : i32
          %add3A_213 = arith.constant 6 : i32
          %add3A_214 = arith.addi %mul3A_212, %add3A_213 : i32
          %mul3A_215 = arith.constant 16 : i32
          %mul3A_216 = arith.muli %add3A_214, %mul3A_215 : i32
          %get3A_217 = arith.constant 1 : i32
          %get3A_218 = arith.index_cast %get3A_217 : i32 to index
          %get3A_219 = arith.index_cast %scan3A_106 : i32 to index
          %get3A_220 = arith.index_cast %mul3A_216 : i32 to index
          %get3A_221 = tpu.vector_load %arg4[%get3A_218, %get3A_219, %get3A_220] {strides = array<i32>} : memref<2x16x2048xf32, #tpu.memory_space<vmem>>, vector<16xf32>,
          %max3A_222 = arith.maximumf %max3A_210, %get3A_221 : vector<16xf32>
          %mul3A_223 = arith.constant 8 : i32
          %mul3A_224 = arith.muli %scan3A_139, %mul3A_223 : i32
          %add3A_225 = arith.constant 7 : i32
          %add3A_226 = arith.addi %mul3A_224, %add3A_225 : i32
          %mul3A_227 = arith.constant 16 : i32
          %mul3A_228 = arith.muli %add3A_226, %mul3A_227 : i32
          %get3A_229 = arith.constant 1 : i32
          %get3A_230 = arith.index_cast %get3A_229 : i32 to index
          %get3A_231 = arith.index_cast %scan3A_106 : i32 to index
          %get3A_232 = arith.index_cast %mul3A_228 : i32 to index
          %get3A_233 = tpu.vector_load %arg4[%get3A_230, %get3A_231, %get3A_232] {strides = array<i32>} : memref<2x16x2048xf32, #tpu.memory_space<vmem>>, vector<16xf32>,
          %max3A_234 = arith.maximumf %max3A_222, %get3A_233 : vector<16xf32>
          scf.yield %max3A_234 : vector<16xf32>
        }
        %scan3A_115 = arith.constant 16 : i32
        %reduce_max3A = arith.constant true
        %reduce_max3A_116 = vector.broadcast %reduce_max3A : i1 to vector<16xi1>
        %reduce_max3A_117 = tpu.scan <max>, %scan3A_114 masked %reduce_max3A_116 : vector<16xf32>, vector<16xi1> -> vector<16xf32>
        %reduce_max3A_118 = vector.extract %reduce_max3A_117[15] : f32 from vector<16xf32>
        %sub3A = arith.constant 6.000000e-01 : f32
        %sub3A_119 = arith.subf %reduce_max3A_118, %sub3A : f32
        %broadcast_in_dim3A_120 = arith.constant 0 : i32
        %broadcast_in_dim3A_121 = vector.broadcast %broadcast_in_dim3A_120 : i32 to vector<16xi32>
        %scan3A_122 = arith.constant 0 : i32
        %scan3A_123 = arith.constant 16 : i32
        %scan3A_124 = arith.addi %scan3A_122, %scan3A_123 : i32
        %scan3A_125 = arith.constant 1 : i32
        %scan3A_126 = scf.for %scan3A_139 = %scan3A_122 to %scan3A_124 step %scan3A_125 iter_args(%scan3A_140 = %broadcast_in_dim3A_121) -> (vector<16xi32>)  : i32 {
          %mul3A_141 = arith.constant 8 : i32
          %mul3A_142 = arith.muli %scan3A_139, %mul3A_141 : i32
          %add3A_143 = arith.constant 0 : i32
          %add3A_144 = arith.addi %mul3A_142, %add3A_143 : i32
          %mul3A_145 = arith.constant 16 : i32
          %mul3A_146 = arith.muli %add3A_144, %mul3A_145 : i32
          %get3A = arith.constant 1 : i32
          %get3A_147 = arith.index_cast %get3A : i32 to index
          %get3A_148 = arith.index_cast %scan3A_106 : i32 to index
          %get3A_149 = arith.index_cast %mul3A_146 : i32 to index
          %get3A_150 = tpu.vector_load %arg4[%get3A_147, %get3A_148, %get3A_149] {strides = array<i32>} : memref<2x16x2048xf32, #tpu.memory_space<vmem>>, vector<16xf32>,
          %ge3A = vector.broadcast %sub3A_119 : f32 to vector<16xf32>
          %ge3A_151 = arith.cmpf oge, %get3A_150, %ge3A : vector<16xf32>
          %jit3A = arith.constant 1 : i32
          %jit3A_152 = arith.constant 0 : i32
          %broadcast_in_dim3A_153 = vector.broadcast %jit3A : i32 to vector<16xi32>
          %broadcast_in_dim3A_154 = vector.broadcast %jit3A_152 : i32 to vector<16xi32>
          %select_n3A_155 = arith.select %ge3A_151, %broadcast_in_dim3A_153, %broadcast_in_dim3A_154 : vector<16xi1>, vector<16xi32>
          %mul3A_156 = arith.constant 8 : i32
          %mul3A_157 = arith.muli %scan3A_139, %mul3A_156 : i32
          %add3A_158 = arith.constant 1 : i32
          %add3A_159 = arith.addi %mul3A_157, %add3A_158 : i32
          %mul3A_160 = arith.constant 16 : i32
          %mul3A_161 = arith.muli %add3A_159, %mul3A_160 : i32
          %get3A_162 = arith.constant 1 : i32
          %get3A_163 = arith.index_cast %get3A_162 : i32 to index
          %get3A_164 = arith.index_cast %scan3A_106 : i32 to index
          %get3A_165 = arith.index_cast %mul3A_161 : i32 to index
          %get3A_166 = tpu.vector_load %arg4[%get3A_163, %get3A_164, %get3A_165] {strides = array<i32>} : memref<2x16x2048xf32, #tpu.memory_space<vmem>>, vector<16xf32>,
          %ge3A_167 = vector.broadcast %sub3A_119 : f32 to vector<16xf32>
          %ge3A_168 = arith.cmpf oge, %get3A_166, %ge3A_167 : vector<16xf32>
          %jit3A_169 = arith.constant 1 : i32
          %jit3A_170 = arith.constant 0 : i32
          %broadcast_in_dim3A_171 = vector.broadcast %jit3A_169 : i32 to vector<16xi32>
          %broadcast_in_dim3A_172 = vector.broadcast %jit3A_170 : i32 to vector<16xi32>
          %select_n3A_173 = arith.select %ge3A_168, %broadcast_in_dim3A_171, %broadcast_in_dim3A_172 : vector<16xi1>, vector<16xi32>
          %add3A_174 = arith.addi %select_n3A_155, %select_n3A_173 : vector<16xi32>
          %mul3A_175 = arith.constant 8 : i32
          %mul3A_176 = arith.muli %scan3A_139, %mul3A_175 : i32
          %add3A_177 = arith.constant 2 : i32
          %add3A_178 = arith.addi %mul3A_176, %add3A_177 : i32
          %mul3A_179 = arith.constant 16 : i32
          %mul3A_180 = arith.muli %add3A_178, %mul3A_179 : i32
          %get3A_181 = arith.constant 1 : i32
          %get3A_182 = arith.index_cast %get3A_181 : i32 to index
          %get3A_183 = arith.index_cast %scan3A_106 : i32 to index
          %get3A_184 = arith.index_cast %mul3A_180 : i32 to index
          %get3A_185 = tpu.vector_load %arg4[%get3A_182, %get3A_183, %get3A_184] {strides = array<i32>} : memref<2x16x2048xf32, #tpu.memory_space<vmem>>, vector<16xf32>,
          %ge3A_186 = vector.broadcast %sub3A_119 : f32 to vector<16xf32>
          %ge3A_187 = arith.cmpf oge, %get3A_185, %ge3A_186 : vector<16xf32>
          %jit3A_188 = arith.constant 1 : i32
          %jit3A_189 = arith.constant 0 : i32
          %broadcast_in_dim3A_190 = vector.broadcast %jit3A_188 : i32 to vector<16xi32>
          %broadcast_in_dim3A_191 = vector.broadcast %jit3A_189 : i32 to vector<16xi32>
          %select_n3A_192 = arith.select %ge3A_187, %broadcast_in_dim3A_190, %broadcast_in_dim3A_191 : vector<16xi1>, vector<16xi32>
          %add3A_193 = arith.addi %add3A_174, %select_n3A_192 : vector<16xi32>
          %mul3A_194 = arith.constant 8 : i32
          %mul3A_195 = arith.muli %scan3A_139, %mul3A_194 : i32
          %add3A_196 = arith.constant 3 : i32
          %add3A_197 = arith.addi %mul3A_195, %add3A_196 : i32
          %mul3A_198 = arith.constant 16 : i32
          %mul3A_199 = arith.muli %add3A_197, %mul3A_198 : i32
          %get3A_200 = arith.constant 1 : i32
          %get3A_201 = arith.index_cast %get3A_200 : i32 to index
          %get3A_202 = arith.index_cast %scan3A_106 : i32 to index
          %get3A_203 = arith.index_cast %mul3A_199 : i32 to index
          %get3A_204 = tpu.vector_load %arg4[%get3A_201, %get3A_202, %get3A_203] {strides = array<i32>} : memref<2x16x2048xf32, #tpu.memory_space<vmem>>, vector<16xf32>,
          %ge3A_205 = vector.broadcast %sub3A_119 : f32 to vector<16xf32>
          %ge3A_206 = arith.cmpf oge, %get3A_204, %ge3A_205 : vector<16xf32>
          %jit3A_207 = arith.constant 1 : i32
          %jit3A_208 = arith.constant 0 : i32
          %broadcast_in_dim3A_209 = vector.broadcast %jit3A_207 : i32 to vector<16xi32>
          %broadcast_in_dim3A_210 = vector.broadcast %jit3A_208 : i32 to vector<16xi32>
          %select_n3A_211 = arith.select %ge3A_206, %broadcast_in_dim3A_209, %broadcast_in_dim3A_210 : vector<16xi1>, vector<16xi32>
          %add3A_212 = arith.addi %add3A_193, %select_n3A_211 : vector<16xi32>
          %mul3A_213 = arith.constant 8 : i32
          %mul3A_214 = arith.muli %scan3A_139, %mul3A_213 : i32
          %add3A_215 = arith.constant 4 : i32
          %add3A_216 = arith.addi %mul3A_214, %add3A_215 : i32
          %mul3A_217 = arith.constant 16 : i32
          %mul3A_218 = arith.muli %add3A_216, %mul3A_217 : i32
          %get3A_219 = arith.constant 1 : i32
          %get3A_220 = arith.index_cast %get3A_219 : i32 to index
          %get3A_221 = arith.index_cast %scan3A_106 : i32 to index
          %get3A_222 = arith.index_cast %mul3A_218 : i32 to index
          %get3A_223 = tpu.vector_load %arg4[%get3A_220, %get3A_221, %get3A_222] {strides = array<i32>} : memref<2x16x2048xf32, #tpu.memory_space<vmem>>, vector<16xf32>,
          %ge3A_224 = vector.broadcast %sub3A_119 : f32 to vector<16xf32>
          %ge3A_225 = arith.cmpf oge, %get3A_223, %ge3A_224 : vector<16xf32>
          %jit3A_226 = arith.constant 1 : i32
          %jit3A_227 = arith.constant 0 : i32
          %broadcast_in_dim3A_228 = vector.broadcast %jit3A_226 : i32 to vector<16xi32>
          %broadcast_in_dim3A_229 = vector.broadcast %jit3A_227 : i32 to vector<16xi32>
          %select_n3A_230 = arith.select %ge3A_225, %broadcast_in_dim3A_228, %broadcast_in_dim3A_229 : vector<16xi1>, vector<16xi32>
          %add3A_231 = arith.addi %add3A_212, %select_n3A_230 : vector<16xi32>
          %mul3A_232 = arith.constant 8 : i32
          %mul3A_233 = arith.muli %scan3A_139, %mul3A_232 : i32
          %add3A_234 = arith.constant 5 : i32
          %add3A_235 = arith.addi %mul3A_233, %add3A_234 : i32
          %mul3A_236 = arith.constant 16 : i32
          %mul3A_237 = arith.muli %add3A_235, %mul3A_236 : i32
          %get3A_238 = arith.constant 1 : i32
          %get3A_239 = arith.index_cast %get3A_238 : i32 to index
          %get3A_240 = arith.index_cast %scan3A_106 : i32 to index
          %get3A_241 = arith.index_cast %mul3A_237 : i32 to index
          %get3A_242 = tpu.vector_load %arg4[%get3A_239, %get3A_240, %get3A_241] {strides = array<i32>} : memref<2x16x2048xf32, #tpu.memory_space<vmem>>, vector<16xf32>,
          %ge3A_243 = vector.broadcast %sub3A_119 : f32 to vector<16xf32>
          %ge3A_244 = arith.cmpf oge, %get3A_242, %ge3A_243 : vector<16xf32>
          %jit3A_245 = arith.constant 1 : i32
          %jit3A_246 = arith.constant 0 : i32
          %broadcast_in_dim3A_247 = vector.broadcast %jit3A_245 : i32 to vector<16xi32>
          %broadcast_in_dim3A_248 = vector.broadcast %jit3A_246 : i32 to vector<16xi32>
          %select_n3A_249 = arith.select %ge3A_244, %broadcast_in_dim3A_247, %broadcast_in_dim3A_248 : vector<16xi1>, vector<16xi32>
          %add3A_250 = arith.addi %add3A_231, %select_n3A_249 : vector<16xi32>
          %mul3A_251 = arith.constant 8 : i32
          %mul3A_252 = arith.muli %scan3A_139, %mul3A_251 : i32
          %add3A_253 = arith.constant 6 : i32
          %add3A_254 = arith.addi %mul3A_252, %add3A_253 : i32
          %mul3A_255 = arith.constant 16 : i32
          %mul3A_256 = arith.muli %add3A_254, %mul3A_255 : i32
          %get3A_257 = arith.constant 1 : i32
          %get3A_258 = arith.index_cast %get3A_257 : i32 to index
          %get3A_259 = arith.index_cast %scan3A_106 : i32 to index
          %get3A_260 = arith.index_cast %mul3A_256 : i32 to index
          %get3A_261 = tpu.vector_load %arg4[%get3A_258, %get3A_259, %get3A_260] {strides = array<i32>} : memref<2x16x2048xf32, #tpu.memory_space<vmem>>, vector<16xf32>,
          %ge3A_262 = vector.broadcast %sub3A_119 : f32 to vector<16xf32>
          %ge3A_263 = arith.cmpf oge, %get3A_261, %ge3A_262 : vector<16xf32>
          %jit3A_264 = arith.constant 1 : i32
          %jit3A_265 = arith.constant 0 : i32
          %broadcast_in_dim3A_266 = vector.broadcast %jit3A_264 : i32 to vector<16xi32>
          %broadcast_in_dim3A_267 = vector.broadcast %jit3A_265 : i32 to vector<16xi32>
          %select_n3A_268 = arith.select %ge3A_263, %broadcast_in_dim3A_266, %broadcast_in_dim3A_267 : vector<16xi1>, vector<16xi32>
          %add3A_269 = arith.addi %add3A_250, %select_n3A_268 : vector<16xi32>
          %mul3A_270 = arith.constant 8 : i32
          %mul3A_271 = arith.muli %scan3A_139, %mul3A_270 : i32
          %add3A_272 = arith.constant 7 : i32
          %add3A_273 = arith.addi %mul3A_271, %add3A_272 : i32
          %mul3A_274 = arith.constant 16 : i32
          %mul3A_275 = arith.muli %add3A_273, %mul3A_274 : i32
          %get3A_276 = arith.constant 1 : i32
          %get3A_277 = arith.index_cast %get3A_276 : i32 to index
          %get3A_278 = arith.index_cast %scan3A_106 : i32 to index
          %get3A_279 = arith.index_cast %mul3A_275 : i32 to index
          %get3A_280 = tpu.vector_load %arg4[%get3A_277, %get3A_278, %get3A_279] {strides = array<i32>} : memref<2x16x2048xf32, #tpu.memory_space<vmem>>, vector<16xf32>,
          %ge3A_281 = vector.broadcast %sub3A_119 : f32 to vector<16xf32>
          %ge3A_282 = arith.cmpf oge, %get3A_280, %ge3A_281 : vector<16xf32>
          %jit3A_283 = arith.constant 1 : i32
          %jit3A_284 = arith.constant 0 : i32
          %broadcast_in_dim3A_285 = vector.broadcast %jit3A_283 : i32 to vector<16xi32>
          %broadcast_in_dim3A_286 = vector.broadcast %jit3A_284 : i32 to vector<16xi32>
          %select_n3A_287 = arith.select %ge3A_282, %broadcast_in_dim3A_285, %broadcast_in_dim3A_286 : vector<16xi1>, vector<16xi32>
          %add3A_288 = arith.addi %add3A_269, %select_n3A_287 : vector<16xi32>
          %add3A_289 = arith.addi %scan3A_140, %add3A_288 : vector<16xi32>
          scf.yield %add3A_289 : vector<16xi32>
        }
        %scan3A_127 = arith.constant 16 : i32
        %reduce_sum3A = arith.constant true
        %reduce_sum3A_128 = vector.broadcast %reduce_sum3A : i1 to vector<16xi1>
        %reduce_sum3A_129 = tpu.scan <sum>, %scan3A_126 masked %reduce_sum3A_128 : vector<16xi32>, vector<16xi1> -> vector<16xi32>
        %reduce_sum3A_130 = vector.extract %reduce_sum3A_129[15] : i32 from vector<16xi32>
        %gt3A = arith.constant 32 : i32
        %gt3A_131 = arith.cmpi sgt, %reduce_sum3A_130, %gt3A : i32
        %convert_element_type3A_132 = arith.extui %gt3A_131 : i1 to i32
        %cond3A_133 = arith.constant 0 : i32
        %cond3A_134 = arith.constant 0 : i32
        %cond3A_135 = arith.cmpi ne, %convert_element_type3A_132, %cond3A_134 : i32
        %cond3A_136 = scf.if %cond3A_135 -> (f32) {
          %add3A_139 = arith.constant 1.000000e+00 : f32
          %add3A_140 = arith.addf %reduce_max3A_118, %add3A_139 : f32
          %scan3A_141 = arith.constant 0 : i32
          %scan3A_142 = arith.constant 20 : i32
          %scan3A_143 = arith.addi %scan3A_141, %scan3A_142 : i32
          %scan3A_144 = arith.constant 1 : i32
          %scan3A_145:2 = scf.for %scan3A_147 = %scan3A_141 to %scan3A_143 step %scan3A_144 iter_args(%scan3A_148 = %sub3A_119, %scan3A_149 = %add3A_140) -> (f32, f32)  : i32 {
            %add3A_150 = arith.addf %scan3A_148, %scan3A_149 : f32
            %mul3A_151 = arith.constant 5.000000e-01 : f32
            %mul3A_152 = arith.mulf %mul3A_151, %add3A_150 : f32
            %broadcast_in_dim3A_153 = arith.constant 0 : i32
            %broadcast_in_dim3A_154 = vector.broadcast %broadcast_in_dim3A_153 : i32 to vector<16xi32>
            %scan3A_155 = arith.constant 0 : i32
            %scan3A_156 = arith.constant 16 : i32
            %scan3A_157 = arith.addi %scan3A_155, %scan3A_156 : i32
            %scan3A_158 = arith.constant 1 : i32
            %scan3A_159 = scf.for %scan3A_169 = %scan3A_155 to %scan3A_157 step %scan3A_158 iter_args(%scan3A_170 = %broadcast_in_dim3A_154) -> (vector<16xi32>)  : i32 {
              %mul3A_171 = arith.constant 8 : i32
              %mul3A_172 = arith.muli %scan3A_169, %mul3A_171 : i32
              %add3A_173 = arith.constant 0 : i32
              %add3A_174 = arith.addi %mul3A_172, %add3A_173 : i32
              %mul3A_175 = arith.constant 16 : i32
              %mul3A_176 = arith.muli %add3A_174, %mul3A_175 : i32
              %get3A = arith.constant 1 : i32
              %get3A_177 = arith.index_cast %get3A : i32 to index
              %get3A_178 = arith.index_cast %scan3A_106 : i32 to index
              %get3A_179 = arith.index_cast %mul3A_176 : i32 to index
              %get3A_180 = tpu.vector_load %arg4[%get3A_177, %get3A_178, %get3A_179] {strides = array<i32>} : memref<2x16x2048xf32, #tpu.memory_space<vmem>>, vector<16xf32>,
              %ge3A = vector.broadcast %mul3A_152 : f32 to vector<16xf32>
              %ge3A_181 = arith.cmpf oge, %get3A_180, %ge3A : vector<16xf32>
              %jit3A = arith.constant 1 : i32
              %jit3A_182 = arith.constant 0 : i32
              %broadcast_in_dim3A_183 = vector.broadcast %jit3A : i32 to vector<16xi32>
              %broadcast_in_dim3A_184 = vector.broadcast %jit3A_182 : i32 to vector<16xi32>
              %select_n3A_185 = arith.select %ge3A_181, %broadcast_in_dim3A_183, %broadcast_in_dim3A_184 : vector<16xi1>, vector<16xi32>
              %mul3A_186 = arith.constant 8 : i32
              %mul3A_187 = arith.muli %scan3A_169, %mul3A_186 : i32
              %add3A_188 = arith.constant 1 : i32
              %add3A_189 = arith.addi %mul3A_187, %add3A_188 : i32
              %mul3A_190 = arith.constant 16 : i32
              %mul3A_191 = arith.muli %add3A_189, %mul3A_190 : i32
              %get3A_192 = arith.constant 1 : i32
              %get3A_193 = arith.index_cast %get3A_192 : i32 to index
              %get3A_194 = arith.index_cast %scan3A_106 : i32 to index
              %get3A_195 = arith.index_cast %mul3A_191 : i32 to index
              %get3A_196 = tpu.vector_load %arg4[%get3A_193, %get3A_194, %get3A_195] {strides = array<i32>} : memref<2x16x2048xf32, #tpu.memory_space<vmem>>, vector<16xf32>,
              %ge3A_197 = vector.broadcast %mul3A_152 : f32 to vector<16xf32>
              %ge3A_198 = arith.cmpf oge, %get3A_196, %ge3A_197 : vector<16xf32>
              %jit3A_199 = arith.constant 1 : i32
              %jit3A_200 = arith.constant 0 : i32
              %broadcast_in_dim3A_201 = vector.broadcast %jit3A_199 : i32 to vector<16xi32>
              %broadcast_in_dim3A_202 = vector.broadcast %jit3A_200 : i32 to vector<16xi32>
              %select_n3A_203 = arith.select %ge3A_198, %broadcast_in_dim3A_201, %broadcast_in_dim3A_202 : vector<16xi1>, vector<16xi32>
              %add3A_204 = arith.addi %select_n3A_185, %select_n3A_203 : vector<16xi32>
              %mul3A_205 = arith.constant 8 : i32
              %mul3A_206 = arith.muli %scan3A_169, %mul3A_205 : i32
              %add3A_207 = arith.constant 2 : i32
              %add3A_208 = arith.addi %mul3A_206, %add3A_207 : i32
              %mul3A_209 = arith.constant 16 : i32
              %mul3A_210 = arith.muli %add3A_208, %mul3A_209 : i32
              %get3A_211 = arith.constant 1 : i32
              %get3A_212 = arith.index_cast %get3A_211 : i32 to index
              %get3A_213 = arith.index_cast %scan3A_106 : i32 to index
              %get3A_214 = arith.index_cast %mul3A_210 : i32 to index
              %get3A_215 = tpu.vector_load %arg4[%get3A_212, %get3A_213, %get3A_214] {strides = array<i32>} : memref<2x16x2048xf32, #tpu.memory_space<vmem>>, vector<16xf32>,
              %ge3A_216 = vector.broadcast %mul3A_152 : f32 to vector<16xf32>
              %ge3A_217 = arith.cmpf oge, %get3A_215, %ge3A_216 : vector<16xf32>
              %jit3A_218 = arith.constant 1 : i32
              %jit3A_219 = arith.constant 0 : i32
              %broadcast_in_dim3A_220 = vector.broadcast %jit3A_218 : i32 to vector<16xi32>
              %broadcast_in_dim3A_221 = vector.broadcast %jit3A_219 : i32 to vector<16xi32>
              %select_n3A_222 = arith.select %ge3A_217, %broadcast_in_dim3A_220, %broadcast_in_dim3A_221 : vector<16xi1>, vector<16xi32>
              %add3A_223 = arith.addi %add3A_204, %select_n3A_222 : vector<16xi32>
              %mul3A_224 = arith.constant 8 : i32
              %mul3A_225 = arith.muli %scan3A_169, %mul3A_224 : i32
              %add3A_226 = arith.constant 3 : i32
              %add3A_227 = arith.addi %mul3A_225, %add3A_226 : i32
              %mul3A_228 = arith.constant 16 : i32
              %mul3A_229 = arith.muli %add3A_227, %mul3A_228 : i32
              %get3A_230 = arith.constant 1 : i32
              %get3A_231 = arith.index_cast %get3A_230 : i32 to index
              %get3A_232 = arith.index_cast %scan3A_106 : i32 to index
              %get3A_233 = arith.index_cast %mul3A_229 : i32 to index
              %get3A_234 = tpu.vector_load %arg4[%get3A_231, %get3A_232, %get3A_233] {strides = array<i32>} : memref<2x16x2048xf32, #tpu.memory_space<vmem>>, vector<16xf32>,
              %ge3A_235 = vector.broadcast %mul3A_152 : f32 to vector<16xf32>
              %ge3A_236 = arith.cmpf oge, %get3A_234, %ge3A_235 : vector<16xf32>
              %jit3A_237 = arith.constant 1 : i32
              %jit3A_238 = arith.constant 0 : i32
              %broadcast_in_dim3A_239 = vector.broadcast %jit3A_237 : i32 to vector<16xi32>
              %broadcast_in_dim3A_240 = vector.broadcast %jit3A_238 : i32 to vector<16xi32>
              %select_n3A_241 = arith.select %ge3A_236, %broadcast_in_dim3A_239, %broadcast_in_dim3A_240 : vector<16xi1>, vector<16xi32>
              %add3A_242 = arith.addi %add3A_223, %select_n3A_241 : vector<16xi32>
              %mul3A_243 = arith.constant 8 : i32
              %mul3A_244 = arith.muli %scan3A_169, %mul3A_243 : i32
              %add3A_245 = arith.constant 4 : i32
              %add3A_246 = arith.addi %mul3A_244, %add3A_245 : i32
              %mul3A_247 = arith.constant 16 : i32
              %mul3A_248 = arith.muli %add3A_246, %mul3A_247 : i32
              %get3A_249 = arith.constant 1 : i32
              %get3A_250 = arith.index_cast %get3A_249 : i32 to index
              %get3A_251 = arith.index_cast %scan3A_106 : i32 to index
              %get3A_252 = arith.index_cast %mul3A_248 : i32 to index
              %get3A_253 = tpu.vector_load %arg4[%get3A_250, %get3A_251, %get3A_252] {strides = array<i32>} : memref<2x16x2048xf32, #tpu.memory_space<vmem>>, vector<16xf32>,
              %ge3A_254 = vector.broadcast %mul3A_152 : f32 to vector<16xf32>
              %ge3A_255 = arith.cmpf oge, %get3A_253, %ge3A_254 : vector<16xf32>
              %jit3A_256 = arith.constant 1 : i32
              %jit3A_257 = arith.constant 0 : i32
              %broadcast_in_dim3A_258 = vector.broadcast %jit3A_256 : i32 to vector<16xi32>
              %broadcast_in_dim3A_259 = vector.broadcast %jit3A_257 : i32 to vector<16xi32>
              %select_n3A_260 = arith.select %ge3A_255, %broadcast_in_dim3A_258, %broadcast_in_dim3A_259 : vector<16xi1>, vector<16xi32>
              %add3A_261 = arith.addi %add3A_242, %select_n3A_260 : vector<16xi32>
              %mul3A_262 = arith.constant 8 : i32
              %mul3A_263 = arith.muli %scan3A_169, %mul3A_262 : i32
              %add3A_264 = arith.constant 5 : i32
              %add3A_265 = arith.addi %mul3A_263, %add3A_264 : i32
              %mul3A_266 = arith.constant 16 : i32
              %mul3A_267 = arith.muli %add3A_265, %mul3A_266 : i32
              %get3A_268 = arith.constant 1 : i32
              %get3A_269 = arith.index_cast %get3A_268 : i32 to index
              %get3A_270 = arith.index_cast %scan3A_106 : i32 to index
              %get3A_271 = arith.index_cast %mul3A_267 : i32 to index
              %get3A_272 = tpu.vector_load %arg4[%get3A_269, %get3A_270, %get3A_271] {strides = array<i32>} : memref<2x16x2048xf32, #tpu.memory_space<vmem>>, vector<16xf32>,
              %ge3A_273 = vector.broadcast %mul3A_152 : f32 to vector<16xf32>
              %ge3A_274 = arith.cmpf oge, %get3A_272, %ge3A_273 : vector<16xf32>
              %jit3A_275 = arith.constant 1 : i32
              %jit3A_276 = arith.constant 0 : i32
              %broadcast_in_dim3A_277 = vector.broadcast %jit3A_275 : i32 to vector<16xi32>
              %broadcast_in_dim3A_278 = vector.broadcast %jit3A_276 : i32 to vector<16xi32>
              %select_n3A_279 = arith.select %ge3A_274, %broadcast_in_dim3A_277, %broadcast_in_dim3A_278 : vector<16xi1>, vector<16xi32>
              %add3A_280 = arith.addi %add3A_261, %select_n3A_279 : vector<16xi32>
              %mul3A_281 = arith.constant 8 : i32
              %mul3A_282 = arith.muli %scan3A_169, %mul3A_281 : i32
              %add3A_283 = arith.constant 6 : i32
              %add3A_284 = arith.addi %mul3A_282, %add3A_283 : i32
              %mul3A_285 = arith.constant 16 : i32
              %mul3A_286 = arith.muli %add3A_284, %mul3A_285 : i32
              %get3A_287 = arith.constant 1 : i32
              %get3A_288 = arith.index_cast %get3A_287 : i32 to index
              %get3A_289 = arith.index_cast %scan3A_106 : i32 to index
              %get3A_290 = arith.index_cast %mul3A_286 : i32 to index
              %get3A_291 = tpu.vector_load %arg4[%get3A_288, %get3A_289, %get3A_290] {strides = array<i32>} : memref<2x16x2048xf32, #tpu.memory_space<vmem>>, vector<16xf32>,
              %ge3A_292 = vector.broadcast %mul3A_152 : f32 to vector<16xf32>
              %ge3A_293 = arith.cmpf oge, %get3A_291, %ge3A_292 : vector<16xf32>
              %jit3A_294 = arith.constant 1 : i32
              %jit3A_295 = arith.constant 0 : i32
              %broadcast_in_dim3A_296 = vector.broadcast %jit3A_294 : i32 to vector<16xi32>
              %broadcast_in_dim3A_297 = vector.broadcast %jit3A_295 : i32 to vector<16xi32>
              %select_n3A_298 = arith.select %ge3A_293, %broadcast_in_dim3A_296, %broadcast_in_dim3A_297 : vector<16xi1>, vector<16xi32>
              %add3A_299 = arith.addi %add3A_280, %select_n3A_298 : vector<16xi32>
              %mul3A_300 = arith.constant 8 : i32
              %mul3A_301 = arith.muli %scan3A_169, %mul3A_300 : i32
              %add3A_302 = arith.constant 7 : i32
              %add3A_303 = arith.addi %mul3A_301, %add3A_302 : i32
              %mul3A_304 = arith.constant 16 : i32
              %mul3A_305 = arith.muli %add3A_303, %mul3A_304 : i32
              %get3A_306 = arith.constant 1 : i32
              %get3A_307 = arith.index_cast %get3A_306 : i32 to index
              %get3A_308 = arith.index_cast %scan3A_106 : i32 to index
              %get3A_309 = arith.index_cast %mul3A_305 : i32 to index
              %get3A_310 = tpu.vector_load %arg4[%get3A_307, %get3A_308, %get3A_309] {strides = array<i32>} : memref<2x16x2048xf32, #tpu.memory_space<vmem>>, vector<16xf32>,
              %ge3A_311 = vector.broadcast %mul3A_152 : f32 to vector<16xf32>
              %ge3A_312 = arith.cmpf oge, %get3A_310, %ge3A_311 : vector<16xf32>
              %jit3A_313 = arith.constant 1 : i32
              %jit3A_314 = arith.constant 0 : i32
              %broadcast_in_dim3A_315 = vector.broadcast %jit3A_313 : i32 to vector<16xi32>
              %broadcast_in_dim3A_316 = vector.broadcast %jit3A_314 : i32 to vector<16xi32>
              %select_n3A_317 = arith.select %ge3A_312, %broadcast_in_dim3A_315, %broadcast_in_dim3A_316 : vector<16xi1>, vector<16xi32>
              %add3A_318 = arith.addi %add3A_299, %select_n3A_317 : vector<16xi32>
              %add3A_319 = arith.addi %scan3A_170, %add3A_318 : vector<16xi32>
              scf.yield %add3A_319 : vector<16xi32>
            }
            %scan3A_160 = arith.constant 16 : i32
            %reduce_sum3A_161 = arith.constant true
            %reduce_sum3A_162 = vector.broadcast %reduce_sum3A_161 : i1 to vector<16xi1>
            %reduce_sum3A_163 = tpu.scan <sum>, %scan3A_159 masked %reduce_sum3A_162 : vector<16xi32>, vector<16xi1> -> vector<16xi32>
            %reduce_sum3A_164 = vector.extract %reduce_sum3A_163[15] : i32 from vector<16xi32>
            %gt3A_165 = arith.constant 32 : i32
            %gt3A_166 = arith.cmpi sgt, %reduce_sum3A_164, %gt3A_165 : i32
            %select_n3A_167 = arith.select %gt3A_166, %mul3A_152, %scan3A_148 : f32
            %select_n3A_168 = arith.select %gt3A_166, %scan3A_149, %mul3A_152 : f32
            scf.yield %select_n3A_167, %select_n3A_168 : f32, f32
          }
          %scan3A_146 = arith.constant 20 : i32
          scf.yield %scan3A_145#1 : f32
        } else {
          scf.yield %sub3A_119 : f32
        }
        %eq3A = vector.broadcast %scan3A_106 : i32 to vector<16xi32>
        %eq3A_137 = arith.cmpi eq, %iota3A, %eq3A : vector<16xi32>
        %broadcast_in_dim3A_138 = vector.broadcast %cond3A_136 : f32 to vector<16xf32>
        %select_n3A = arith.select %eq3A_137, %broadcast_in_dim3A_138, %scan3A_107 : vector<16xi1>, vector<16xf32>
        scf.yield %select_n3A : vector<16xf32>
      }
      %scan3A_100 = arith.constant 16 : i32
      %mul3A_101 = arith.constant 16 : i32
      %mul3A_102 = arith.muli %add3A_67, %mul3A_101 : i32
      %swap3A_103 = arith.index_cast %mul3A_102 : i32 to index
      %swap3A_104 = tpu.vector_load %arg5[%swap3A_103] {strides = array<i32>} : memref<1024xf32, #tpu.memory_space<vmem>>, vector<16xf32>,
      tpu.vector_store %arg5[%swap3A_103], %scan3A_99 {strides = array<i32>} : memref<1024xf32, #tpu.memory_space<vmem>>, vector<16xf32>,
      %scan3A_105 = arith.constant 0 : i32
      scf.yield %scan3A_105 : i32
    }
    %scan3A_24 = arith.constant 32 : i32
    %mul3A_25 = arith.constant 1024 : i32
    %mul3A_26 = arith.muli %add3A, %mul3A_25 : i32
    "tpu.region"() ({
      %run_scoped3A = tpu.sem_alloc : memref<!tpu.dma_semaphore, #tpu.memory_space<semaphore_mem>>
      %dma_start3A_27 = tpu.memref_slice %arg3[%mul3A_26] : memref<32768xf32, #tpu.memory_space<hbm>> -> memref<1024xf32, #tpu.memory_space<hbm>>
      %dma_start3A_28 = tpu.memref_slice %arg3[%mul3A_26] : memref<32768xf32, #tpu.memory_space<hbm>> -> memref<1024xf32, #tpu.memory_space<hbm>>
      tpu.enqueue_dma source(%arg5 : memref<1024xf32, #tpu.memory_space<vmem>>) target(%dma_start3A_28 : memref<1024xf32, #tpu.memory_space<hbm>>) target_semaphore(%run_scoped3A : memref<!tpu.dma_semaphore, #tpu.memory_space<semaphore_mem>>)
      %dma_wait3A = tpu.memref_slice %arg3[%mul3A_26] : memref<32768xf32, #tpu.memory_space<hbm>> -> memref<1024xf32, #tpu.memory_space<hbm>>
      %dma_wait3A_29 = tpu.memref_slice %arg3[%mul3A_26] : memref<32768xf32, #tpu.memory_space<hbm>> -> memref<1024xf32, #tpu.memory_space<hbm>>
      tpu.wait_dma2 semaphore(%run_scoped3A : memref<!tpu.dma_semaphore, #tpu.memory_space<semaphore_mem>>) src(%arg5 : memref<1024xf32, #tpu.memory_space<vmem>>) dst(%dma_wait3A_29 : memref<1024xf32, #tpu.memory_space<hbm>>)
      tpu.yield
    }) : () -> ()
    return
  }
}

module attributes {stable_mosaic.version = 14 : i64} {
  func.func @_scores_body(%arg0: i32, %arg1: i32, %arg2: i32, %arg3: memref<1x512x512xf32, #tpu.memory_space<vmem>>, %arg4: memref<1x512x64xf32, #tpu.memory_space<vmem>>, %arg5: memref<1x2048x64xf32, #tpu.memory_space<vmem>>, %arg6: memref<1x1x512x2048xf32, #tpu.memory_space<vmem>>, %arg7: memref<1x1x512x64xf32, #tpu.memory_space<vmem>>) attributes {dimension_semantics = [#tpu.dimension_semantics<arbitrary>, #tpu.dimension_semantics<arbitrary>, #tpu.dimension_semantics<arbitrary>], iteration_bounds = array<i64: 2, 8, 4>, scalar_prefetch = 0 : i64, scratch_operands = 0 : i64, tpu.core_type = #tpu.core_type<tc>, window_params = [{transform_indices = @transform_0, window_bounds = array<i64: 1, 512, 512>}, {transform_indices = @transform_1, window_bounds = array<i64: 1, 512, 64>}, {transform_indices = @transform_2, window_bounds = array<i64: 1, 2048, 64>}, {transform_indices = @transform_3, window_bounds = array<i64: 1, 1, 512, 2048>}, {transform_indices = @transform_4, window_bounds = array<i64: 1, 1, 512, 64>}]} {
    %get3A = arith.constant 0 : index
    %get3A_0 = arith.constant 0 : index
    %get3A_1 = arith.constant 0 : index
    %get3A_2 = vector.load %arg3[%get3A, %get3A_0, %get3A_1] : memref<1x512x512xf32, #tpu.memory_space<vmem>>, vector<1x512x512xf32>
    %get3A_3 = vector.shape_cast %get3A_2 : vector<1x512x512xf32> to vector<512x512xf32>
    %convert_element_type3A = arith.truncf %get3A_3 : vector<512x512xf32> to vector<512x512xbf16>
    %get3A_4 = arith.constant 0 : index
    %get3A_5 = arith.constant 0 : index
    %get3A_6 = arith.constant 0 : index
    %get3A_7 = vector.load %arg4[%get3A_4, %get3A_5, %get3A_6] : memref<1x512x64xf32, #tpu.memory_space<vmem>>, vector<1x512x64xf32>
    %get3A_8 = vector.shape_cast %get3A_7 : vector<1x512x64xf32> to vector<512x64xf32>
    %convert_element_type3A_9 = arith.truncf %get3A_8 : vector<512x64xf32> to vector<512x64xbf16>
    %dot_general3A = arith.constant dense<0.000000e+00> : vector<512x64xf32>
    %dot_general3A_10 = tpu.matmul %convert_element_type3A, %convert_element_type3A_9, %dot_general3A {dimension_numbers = #tpu.dot_dimension_numbers<[1], [0], [0], [1], [0, 0, 1, 1], [], []>, transpose_lhs_hint = false} : vector<512x512xbf16>, vector<512x64xbf16>, vector<512x64xf32> -> vector<512x64xf32>
    %mul3A = arith.mulf %dot_general3A_10, %dot_general3A_10 : vector<512x64xf32>
    %broadcast_in_dim3A = arith.constant 1.000000e+00 : f32
    %broadcast_in_dim3A_11 = vector.broadcast %broadcast_in_dim3A : f32 to vector<64x128xf32>
    %dot_general3A_12 = arith.constant dense<0.000000e+00> : vector<512x128xf32>
    %dot_general3A_13 = tpu.matmul %mul3A, %broadcast_in_dim3A_11, %dot_general3A_12 {dimension_numbers = #tpu.dot_dimension_numbers<[1], [0], [0], [1], [0, 0, 1, 1], [], []>, precision = #tpu.contract_precision<fp32>, transpose_lhs_hint = false} : vector<512x64xf32>, vector<64x128xf32>, vector<512x128xf32> -> vector<512x128xf32>
    %slice3A = vector.extract_strided_slice %dot_general3A_13 {offsets = [0, 0], sizes = [512, 1], strides = [1, 1]} : vector<512x128xf32> to vector<512x1xf32>
    %sqrt3A = math.sqrt %slice3A : vector<512x1xf32>
    %max3A = arith.constant 9.99999996E-13 : f32
    %max3A_14 = vector.broadcast %max3A : f32 to vector<512x1xf32>
    %max3A_15 = arith.maximumf %sqrt3A, %max3A_14 : vector<512x1xf32>
    %div3A = vector.broadcast %max3A_15 : vector<512x1xf32> to vector<512x64xf32>
    %div3A_16 = arith.divf %dot_general3A_10, %div3A : vector<512x64xf32>
    %swap3A = arith.constant 0 : index
    %swap3A_17 = arith.constant 0 : index
    %swap3A_18 = arith.constant 0 : index
    %swap3A_19 = arith.constant 0 : index
    %swap3A_20 = vector.load %arg7[%swap3A, %swap3A_17, %swap3A_18, %swap3A_19] : memref<1x1x512x64xf32, #tpu.memory_space<vmem>>, vector<1x1x512x64xf32>
    %swap3A_21 = vector.shape_cast %swap3A_20 : vector<1x1x512x64xf32> to vector<512x64xf32>
    %swap3A_22 = vector.shape_cast %div3A_16 : vector<512x64xf32> to vector<1x1x512x64xf32>
    tpu.vector_store %arg7[%swap3A, %swap3A_17, %swap3A_18, %swap3A_19], %swap3A_22 {strides = array<i32>} : memref<1x1x512x64xf32, #tpu.memory_space<vmem>>, vector<1x1x512x64xf32>,
    %get3A_23 = arith.constant 0 : index
    %get3A_24 = arith.constant 0 : index
    %get3A_25 = arith.constant 0 : index
    %get3A_26 = vector.load %arg5[%get3A_23, %get3A_24, %get3A_25] : memref<1x2048x64xf32, #tpu.memory_space<vmem>>, vector<1x2048x64xf32>
    %get3A_27 = vector.shape_cast %get3A_26 : vector<1x2048x64xf32> to vector<2048x64xf32>
    %dot_general3A_28 = arith.constant dense<0.000000e+00> : vector<512x2048xf32>
    %dot_general3A_29 = tpu.matmul %div3A_16, %get3A_27, %dot_general3A_28 {dimension_numbers = #tpu.dot_dimension_numbers<[1], [1], [0], [0], [0, 0, 1, 0], [], []>, transpose_lhs_hint = false} : vector<512x64xf32>, vector<2048x64xf32>, vector<512x2048xf32> -> vector<512x2048xf32>
    %swap3A_30 = arith.constant 0 : index
    %swap3A_31 = arith.constant 0 : index
    %swap3A_32 = arith.constant 0 : index
    %swap3A_33 = arith.constant 0 : index
    %swap3A_34 = vector.load %arg6[%swap3A_30, %swap3A_31, %swap3A_32, %swap3A_33] : memref<1x1x512x2048xf32, #tpu.memory_space<vmem>>, vector<1x1x512x2048xf32>
    %swap3A_35 = vector.shape_cast %swap3A_34 : vector<1x1x512x2048xf32> to vector<512x2048xf32>
    %swap3A_36 = vector.shape_cast %dot_general3A_29 : vector<512x2048xf32> to vector<1x1x512x2048xf32>
    tpu.vector_store %arg6[%swap3A_30, %swap3A_31, %swap3A_32, %swap3A_33], %swap3A_36 {strides = array<i32>} : memref<1x1x512x2048xf32, #tpu.memory_space<vmem>>, vector<1x1x512x2048xf32>,
    return
  }
  func.func @transform_0(%arg0: i32, %arg1: i32, %arg2: i32) -> (i32, i32, i32) {
    %c0_i32 = arith.constant 0 : i32
    %c0_i32_0 = arith.constant 0 : i32
    return %arg0, %arg2, %c0_i32 : i32, i32, i32
  }
  func.func @transform_1(%arg0: i32, %arg1: i32, %arg2: i32) -> (i32, i32, i32) {
    %c0_i32 = arith.constant 0 : i32
    %c0_i32_0 = arith.constant 0 : i32
    %c0_i32_1 = arith.constant 0 : i32
    return %arg1, %c0_i32, %c0_i32_0 : i32, i32, i32
  }
  func.func @transform_2(%arg0: i32, %arg1: i32, %arg2: i32) -> (i32, i32, i32) {
    %c0_i32 = arith.constant 0 : i32
    %c0_i32_0 = arith.constant 0 : i32
    %c0_i32_1 = arith.constant 0 : i32
    return %arg0, %c0_i32, %c0_i32_0 : i32, i32, i32
  }
  func.func @transform_3(%arg0: i32, %arg1: i32, %arg2: i32) -> (i32, i32, i32, i32) {
    %c0_i32 = arith.constant 0 : i32
    %c0_i32_0 = arith.constant 0 : i32
    return %arg0, %arg1, %arg2, %c0_i32 : i32, i32, i32, i32
  }
  func.func @transform_4(%arg0: i32, %arg1: i32, %arg2: i32) -> (i32, i32, i32, i32) {
    %c0_i32 = arith.constant 0 : i32
    %c0_i32_0 = arith.constant 0 : i32
    return %arg0, %arg1, %arg2, %c0_i32 : i32, i32, i32, i32
  }
}

module attributes {stable_mosaic.version = 14 : i64} {
  func.func @_kv_body(%arg0: i32, %arg1: memref<1x2048x512xf32, #tpu.memory_space<vmem>>, %arg2: memref<512x128xf32, #tpu.memory_space<vmem>>, %arg3: memref<1x2048x64xf32, #tpu.memory_space<vmem>>, %arg4: memref<1x2048x65xf32, #tpu.memory_space<vmem>>) attributes {dimension_semantics = [#tpu.dimension_semantics<arbitrary>], iteration_bounds = array<i64: 2>, scalar_prefetch = 0 : i64, scratch_operands = 0 : i64, tpu.core_type = #tpu.core_type<tc>, window_params = [{transform_indices = @transform_0, window_bounds = array<i64: 1, 2048, 512>}, {pipeline_mode = #tpu.pipeline_mode<synchronous>, transform_indices = @transform_1, window_bounds = array<i64: 512, 128>}, {transform_indices = @transform_2, window_bounds = array<i64: 1, 2048, 64>}, {transform_indices = @transform_3, window_bounds = array<i64: 1, 2048, 65>}]} {
    %get3A = arith.constant 0 : index
    %get3A_0 = arith.constant 0 : index
    %get3A_1 = arith.constant 0 : index
    %get3A_2 = vector.load %arg1[%get3A, %get3A_0, %get3A_1] : memref<1x2048x512xf32, #tpu.memory_space<vmem>>, vector<1x2048x512xf32>
    %get3A_3 = vector.shape_cast %get3A_2 : vector<1x2048x512xf32> to vector<2048x512xf32>
    %get3A_4 = arith.constant 0 : index
    %get3A_5 = arith.constant 0 : index
    %get3A_6 = vector.load %arg2[%get3A_4, %get3A_5] : memref<512x128xf32, #tpu.memory_space<vmem>>, vector<512x128xf32>
    %dot_general3A = arith.constant dense<0.000000e+00> : vector<2048x128xf32>
    %dot_general3A_7 = tpu.matmul %get3A_3, %get3A_6, %dot_general3A {dimension_numbers = #tpu.dot_dimension_numbers<[1], [0], [0], [1], [0, 0, 1, 1], [], []>, transpose_lhs_hint = false} : vector<2048x512xf32>, vector<512x128xf32>, vector<2048x128xf32> -> vector<2048x128xf32>
    %slice3A = vector.extract_strided_slice %dot_general3A_7 {offsets = [0, 0], sizes = [2048, 64], strides = [1, 1]} : vector<2048x128xf32> to vector<2048x64xf32>
    %mul3A = arith.mulf %slice3A, %slice3A : vector<2048x64xf32>
    %broadcast_in_dim3A = arith.constant 1.000000e+00 : f32
    %broadcast_in_dim3A_8 = vector.broadcast %broadcast_in_dim3A : f32 to vector<64x128xf32>
    %dot_general3A_9 = arith.constant dense<0.000000e+00> : vector<2048x128xf32>
    %dot_general3A_10 = tpu.matmul %mul3A, %broadcast_in_dim3A_8, %dot_general3A_9 {dimension_numbers = #tpu.dot_dimension_numbers<[1], [0], [0], [1], [0, 0, 1, 1], [], []>, precision = #tpu.contract_precision<fp32>, transpose_lhs_hint = false} : vector<2048x64xf32>, vector<64x128xf32>, vector<2048x128xf32> -> vector<2048x128xf32>
    %slice3A_11 = vector.extract_strided_slice %dot_general3A_10 {offsets = [0, 0], sizes = [2048, 1], strides = [1, 1]} : vector<2048x128xf32> to vector<2048x1xf32>
    %sqrt3A = math.sqrt %slice3A_11 : vector<2048x1xf32>
    %max3A = arith.constant 9.99999996E-13 : f32
    %max3A_12 = vector.broadcast %max3A : f32 to vector<2048x1xf32>
    %max3A_13 = arith.maximumf %sqrt3A, %max3A_12 : vector<2048x1xf32>
    %div3A = vector.broadcast %max3A_13 : vector<2048x1xf32> to vector<2048x64xf32>
    %div3A_14 = arith.divf %slice3A, %div3A : vector<2048x64xf32>
    %swap3A = arith.constant 0 : index
    %swap3A_15 = arith.constant 0 : index
    %swap3A_16 = arith.constant 0 : index
    %swap3A_17 = vector.load %arg3[%swap3A, %swap3A_15, %swap3A_16] : memref<1x2048x64xf32, #tpu.memory_space<vmem>>, vector<1x2048x64xf32>
    %swap3A_18 = vector.shape_cast %swap3A_17 : vector<1x2048x64xf32> to vector<2048x64xf32>
    %swap3A_19 = vector.shape_cast %div3A_14 : vector<2048x64xf32> to vector<1x2048x64xf32>
    tpu.vector_store %arg3[%swap3A, %swap3A_15, %swap3A_16], %swap3A_19 {strides = array<i32>} : memref<1x2048x64xf32, #tpu.memory_space<vmem>>, vector<1x2048x64xf32>,
    %slice3A_20 = vector.extract_strided_slice %dot_general3A_7 {offsets = [0, 64], sizes = [2048, 64], strides = [1, 1]} : vector<2048x128xf32> to vector<2048x64xf32>
    %broadcast_in_dim3A_21 = arith.constant 1.000000e+00 : f32
    %broadcast_in_dim3A_22 = vector.broadcast %broadcast_in_dim3A_21 : f32 to vector<2048x1xf32>
    %concatenate3A = tpu.concatenate %slice3A_20, %broadcast_in_dim3A_22 in 1 : vector<2048x64xf32>, vector<2048x1xf32> -> vector<2048x65xf32>
    %swap3A_23 = arith.constant 0 : index
    %swap3A_24 = arith.constant 0 : index
    %swap3A_25 = arith.constant 0 : index
    %swap3A_26 = vector.load %arg4[%swap3A_23, %swap3A_24, %swap3A_25] : memref<1x2048x65xf32, #tpu.memory_space<vmem>>, vector<1x2048x65xf32>
    %swap3A_27 = vector.shape_cast %swap3A_26 : vector<1x2048x65xf32> to vector<2048x65xf32>
    %swap3A_28 = vector.shape_cast %concatenate3A : vector<2048x65xf32> to vector<1x2048x65xf32>
    tpu.vector_store %arg4[%swap3A_23, %swap3A_24, %swap3A_25], %swap3A_28 {strides = array<i32>} : memref<1x2048x65xf32, #tpu.memory_space<vmem>>, vector<1x2048x65xf32>,
    return
  }
  func.func @transform_0(%arg0: i32) -> (i32, i32, i32) {
    %c0_i32 = arith.constant 0 : i32
    %c0_i32_0 = arith.constant 0 : i32
    %c0_i32_1 = arith.constant 0 : i32
    return %arg0, %c0_i32, %c0_i32_0 : i32, i32, i32
  }
  func.func @transform_1(%arg0: i32) -> (i32, i32) {
    %c0_i32 = arith.constant 0 : i32
    %c0_i32_0 = arith.constant 0 : i32
    %c0_i32_1 = arith.constant 0 : i32
    return %c0_i32, %c0_i32_0 : i32, i32
  }
  func.func @transform_2(%arg0: i32) -> (i32, i32, i32) {
    %c0_i32 = arith.constant 0 : i32
    %c0_i32_0 = arith.constant 0 : i32
    %c0_i32_1 = arith.constant 0 : i32
    return %arg0, %c0_i32, %c0_i32_0 : i32, i32, i32
  }
  func.func @transform_3(%arg0: i32) -> (i32, i32, i32) {
    %c0_i32 = arith.constant 0 : i32
    %c0_i32_0 = arith.constant 0 : i32
    %c0_i32_1 = arith.constant 0 : i32
    return %arg0, %c0_i32, %c0_i32_0 : i32, i32, i32
  }
}

module attributes {stable_mosaic.version = 14 : i64} {
  func.func @_attn_body(%arg0: i32, %arg1: i32, %arg2: i32, %arg3: memref<1x1x256x64xf32, #tpu.memory_space<vmem>>, %arg4: memref<1x2048x64xf32, #tpu.memory_space<vmem>>, %arg5: memref<1x1x256xf32, #tpu.memory_space<vmem>>, %arg6: memref<1x2048x64xf32, #tpu.memory_space<vmem>>, %arg7: memref<1x2048x65xf32, #tpu.memory_space<vmem>>, %arg8: memref<1x2048x65xf32, #tpu.memory_space<vmem>>, %arg9: memref<64x512xf32, #tpu.memory_space<vmem>>, %arg10: memref<8x1x1xf32, #tpu.memory_space<smem>>, %arg11: memref<1x256x512xf32, #tpu.memory_space<vmem>>) attributes {dimension_semantics = [#tpu.dimension_semantics<arbitrary>, #tpu.dimension_semantics<arbitrary>, #tpu.dimension_semantics<arbitrary>], iteration_bounds = array<i64: 2, 8, 8>, scalar_prefetch = 0 : i64, scratch_operands = 0 : i64, tpu.core_type = #tpu.core_type<tc>, window_params = [{transform_indices = @transform_0, window_bounds = array<i64: 1, 1, 256, 64>}, {transform_indices = @transform_1, window_bounds = array<i64: 1, 2048, 64>}, {transform_indices = @transform_2, window_bounds = array<i64: 1, 1, 256>}, {transform_indices = @transform_3, window_bounds = array<i64: 1, 2048, 64>}, {transform_indices = @transform_4, window_bounds = array<i64: 1, 2048, 65>}, {transform_indices = @transform_5, window_bounds = array<i64: 1, 2048, 65>}, {transform_indices = @transform_6, window_bounds = array<i64: 64, 512>}, {transform_indices = @transform_7, window_bounds = array<i64: 8, 1, 1>}, {transform_indices = @transform_8, window_bounds = array<i64: 1, 256, 512>}]} {
    %get3A = arith.index_cast %arg2 : i32 to index
    %get3A_0 = arith.constant 0 : index
    %get3A_1 = arith.constant 0 : index
    %get3A_2 = memref.load %arg10[%get3A, %get3A_0, %get3A_1] : memref<8x1x1xf32, #tpu.memory_space<smem>>
    %exp3A = math.exp %get3A_2 : f32
    %get3A_3 = arith.constant 0 : index
    %get3A_4 = arith.constant 0 : index
    %get3A_5 = arith.constant 0 : index
    %get3A_6 = arith.constant 0 : index
    %get3A_7 = vector.load %arg3[%get3A_3, %get3A_4, %get3A_5, %get3A_6] : memref<1x1x256x64xf32, #tpu.memory_space<vmem>>, vector<1x1x256x64xf32>
    %get3A_8 = vector.shape_cast %get3A_7 : vector<1x1x256x64xf32> to vector<256x64xf32>
    %mul3A = vector.broadcast %exp3A : f32 to vector<256x64xf32>
    %mul3A_9 = arith.mulf %get3A_8, %mul3A : vector<256x64xf32>
    %get3A_10 = arith.constant 0 : index
    %get3A_11 = arith.constant 0 : index
    %get3A_12 = arith.constant 0 : index
    %get3A_13 = vector.load %arg4[%get3A_10, %get3A_11, %get3A_12] : memref<1x2048x64xf32, #tpu.memory_space<vmem>>, vector<1x2048x64xf32>
    %get3A_14 = vector.shape_cast %get3A_13 : vector<1x2048x64xf32> to vector<2048x64xf32>
    %dot_general3A = arith.constant dense<0.000000e+00> : vector<256x2048xf32>
    %dot_general3A_15 = tpu.matmul %mul3A_9, %get3A_14, %dot_general3A {dimension_numbers = #tpu.dot_dimension_numbers<[1], [1], [0], [0], [0, 0, 1, 0], [], []>, precision = #tpu.contract_precision<fp32>, transpose_lhs_hint = false} : vector<256x64xf32>, vector<2048x64xf32>, vector<256x2048xf32> -> vector<256x2048xf32>
    %get3A_16 = arith.constant 0 : index
    %get3A_17 = arith.constant 0 : index
    %get3A_18 = arith.constant 0 : index
    %get3A_19 = vector.load %arg5[%get3A_16, %get3A_17, %get3A_18] : memref<1x1x256xf32, #tpu.memory_space<vmem>>, vector<1x1x256xf32>
    %get3A_20 = vector.shape_cast %get3A_19 : vector<1x1x256xf32> to vector<256xf32>
    %mul3A_21 = vector.broadcast %exp3A : f32 to vector<256xf32>
    %mul3A_22 = arith.mulf %get3A_20, %mul3A_21 : vector<256xf32>
    %broadcast_in_dim3A = vector.shape_cast %mul3A_22 : vector<256xf32> to vector<256x1xf32>
    %ge3A = vector.broadcast %broadcast_in_dim3A : vector<256x1xf32> to vector<256x2048xf32>
    %ge3A_23 = arith.cmpf oge, %dot_general3A_15, %ge3A : vector<256x2048xf32>
    %jit3A = arith.constant -1.000000e+30 : f32
    %broadcast_in_dim3A_24 = vector.broadcast %jit3A : f32 to vector<256x2048xf32>
    %select_n3A = arith.select %ge3A_23, %dot_general3A_15, %broadcast_in_dim3A_24 : vector<256x2048xi1>, vector<256x2048xf32>
    %get3A_25 = arith.constant 0 : index
    %get3A_26 = arith.constant 0 : index
    %get3A_27 = arith.constant 0 : index
    %get3A_28 = vector.load %arg6[%get3A_25, %get3A_26, %get3A_27] : memref<1x2048x64xf32, #tpu.memory_space<vmem>>, vector<1x2048x64xf32>
    %get3A_29 = vector.shape_cast %get3A_28 : vector<1x2048x64xf32> to vector<2048x64xf32>
    %dot_general3A_30 = arith.constant dense<0.000000e+00> : vector<256x2048xf32>
    %dot_general3A_31 = tpu.matmul %mul3A_9, %get3A_29, %dot_general3A_30 {dimension_numbers = #tpu.dot_dimension_numbers<[1], [1], [0], [0], [0, 0, 1, 0], [], []>, transpose_lhs_hint = false} : vector<256x64xf32>, vector<2048x64xf32>, vector<256x2048xf32> -> vector<256x2048xf32>
    %reduce_max3A = arith.constant dense<0xFF800000> : vector<256xf32>
    %reduce_max3A_32 = vector.multi_reduction <maximumf>, %select_n3A, %reduce_max3A [1] : vector<256x2048xf32> to vector<256xf32>
    %reduce_max3A_33 = arith.constant dense<0xFF800000> : vector<256xf32>
    %reduce_max3A_34 = vector.multi_reduction <maximumf>, %dot_general3A_31, %reduce_max3A_33 [1] : vector<256x2048xf32> to vector<256xf32>
    %max3A = arith.maximumf %reduce_max3A_32, %reduce_max3A_34 : vector<256xf32>
    %broadcast_in_dim3A_35 = vector.shape_cast %max3A : vector<256xf32> to vector<256x1xf32>
    %sub3A = vector.broadcast %broadcast_in_dim3A_35 : vector<256x1xf32> to vector<256x2048xf32>
    %sub3A_36 = arith.subf %select_n3A, %sub3A : vector<256x2048xf32>
    %exp3A_37 = math.exp %sub3A_36 : vector<256x2048xf32>
    %sub3A_38 = vector.broadcast %broadcast_in_dim3A_35 : vector<256x1xf32> to vector<256x2048xf32>
    %sub3A_39 = arith.subf %dot_general3A_31, %sub3A_38 : vector<256x2048xf32>
    %exp3A_40 = math.exp %sub3A_39 : vector<256x2048xf32>
    %get3A_41 = arith.constant 0 : index
    %get3A_42 = arith.constant 0 : index
    %get3A_43 = arith.constant 0 : index
    %get3A_44 = vector.load %arg8[%get3A_41, %get3A_42, %get3A_43] : memref<1x2048x65xf32, #tpu.memory_space<vmem>>, vector<1x2048x65xf32>
    %get3A_45 = vector.shape_cast %get3A_44 : vector<1x2048x65xf32> to vector<2048x65xf32>
    %dot_general3A_46 = arith.constant dense<0.000000e+00> : vector<256x65xf32>
    %dot_general3A_47 = tpu.matmul %exp3A_37, %get3A_45, %dot_general3A_46 {dimension_numbers = #tpu.dot_dimension_numbers<[1], [0], [0], [1], [0, 0, 1, 1], [], []>, transpose_lhs_hint = false} : vector<256x2048xf32>, vector<2048x65xf32>, vector<256x65xf32> -> vector<256x65xf32>
    %get3A_48 = arith.constant 0 : index
    %get3A_49 = arith.constant 0 : index
    %get3A_50 = arith.constant 0 : index
    %get3A_51 = vector.load %arg7[%get3A_48, %get3A_49, %get3A_50] : memref<1x2048x65xf32, #tpu.memory_space<vmem>>, vector<1x2048x65xf32>
    %get3A_52 = vector.shape_cast %get3A_51 : vector<1x2048x65xf32> to vector<2048x65xf32>
    %dot_general3A_53 = arith.constant dense<0.000000e+00> : vector<256x65xf32>
    %dot_general3A_54 = tpu.matmul %exp3A_40, %get3A_52, %dot_general3A_53 {dimension_numbers = #tpu.dot_dimension_numbers<[1], [0], [0], [1], [0, 0, 1, 1], [], []>, transpose_lhs_hint = false} : vector<256x2048xf32>, vector<2048x65xf32>, vector<256x65xf32> -> vector<256x65xf32>
    %add3A = arith.addf %dot_general3A_47, %dot_general3A_54 : vector<256x65xf32>
    %slice3A = vector.extract_strided_slice %add3A {offsets = [0, 0], sizes = [256, 64], strides = [1, 1]} : vector<256x65xf32> to vector<256x64xf32>
    %slice3A_55 = vector.extract_strided_slice %add3A {offsets = [0, 64], sizes = [256, 1], strides = [1, 1]} : vector<256x65xf32> to vector<256x1xf32>
    %div3A = vector.broadcast %slice3A_55 : vector<256x1xf32> to vector<256x64xf32>
    %div3A_56 = arith.divf %slice3A, %div3A : vector<256x64xf32>
    %convert_element_type3A = arith.truncf %div3A_56 : vector<256x64xf32> to vector<256x64xbf16>
    %get3A_57 = arith.constant 0 : index
    %get3A_58 = arith.constant 0 : index
    %get3A_59 = vector.load %arg9[%get3A_57, %get3A_58] : memref<64x512xf32, #tpu.memory_space<vmem>>, vector<64x512xf32>
    %convert_element_type3A_60 = arith.truncf %get3A_59 : vector<64x512xf32> to vector<64x512xbf16>
    %dot_general3A_61 = arith.constant dense<0.000000e+00> : vector<256x512xf32>
    %dot_general3A_62 = tpu.matmul %convert_element_type3A, %convert_element_type3A_60, %dot_general3A_61 {dimension_numbers = #tpu.dot_dimension_numbers<[1], [0], [0], [1], [0, 0, 1, 1], [], []>, transpose_lhs_hint = false} : vector<256x64xbf16>, vector<64x512xbf16>, vector<256x512xf32> -> vector<256x512xf32>
    %eq3A = arith.constant 0 : i32
    %eq3A_63 = arith.cmpi eq, %arg2, %eq3A : i32
    %convert_element_type3A_64 = arith.extui %eq3A_63 : i1 to i32
    %cond3A = arith.constant 0 : i32
    %cond3A_65 = arith.cmpi ne, %convert_element_type3A_64, %cond3A : i32
    scf.if %cond3A_65 {
      %swap3A = arith.constant 0 : index
      %swap3A_70 = arith.constant 0 : index
      %swap3A_71 = arith.constant 0 : index
      %swap3A_72 = vector.load %arg11[%swap3A, %swap3A_70, %swap3A_71] : memref<1x256x512xf32, #tpu.memory_space<vmem>>, vector<1x256x512xf32>
      %swap3A_73 = vector.shape_cast %swap3A_72 : vector<1x256x512xf32> to vector<256x512xf32>
      %swap3A_74 = vector.shape_cast %dot_general3A_62 : vector<256x512xf32> to vector<1x256x512xf32>
      tpu.vector_store %arg11[%swap3A, %swap3A_70, %swap3A_71], %swap3A_74 {strides = array<i32>} : memref<1x256x512xf32, #tpu.memory_space<vmem>>, vector<1x256x512xf32>,
    } else {
    }
    %ne3A = arith.constant 0 : i32
    %ne3A_66 = arith.cmpi ne, %arg2, %ne3A : i32
    %convert_element_type3A_67 = arith.extui %ne3A_66 : i1 to i32
    %cond3A_68 = arith.constant 0 : i32
    %cond3A_69 = arith.cmpi ne, %convert_element_type3A_67, %cond3A_68 : i32
    scf.if %cond3A_69 {
      %get3A_70 = arith.constant 0 : index
      %get3A_71 = arith.constant 0 : index
      %get3A_72 = arith.constant 0 : index
      %get3A_73 = vector.load %arg11[%get3A_70, %get3A_71, %get3A_72] : memref<1x256x512xf32, #tpu.memory_space<vmem>>, vector<1x256x512xf32>
      %get3A_74 = vector.shape_cast %get3A_73 : vector<1x256x512xf32> to vector<256x512xf32>
      %add3A_75 = arith.addf %get3A_74, %dot_general3A_62 : vector<256x512xf32>
      %swap3A = arith.constant 0 : index
      %swap3A_76 = arith.constant 0 : index
      %swap3A_77 = arith.constant 0 : index
      %swap3A_78 = vector.load %arg11[%swap3A, %swap3A_76, %swap3A_77] : memref<1x256x512xf32, #tpu.memory_space<vmem>>, vector<1x256x512xf32>
      %swap3A_79 = vector.shape_cast %swap3A_78 : vector<1x256x512xf32> to vector<256x512xf32>
      %swap3A_80 = vector.shape_cast %add3A_75 : vector<256x512xf32> to vector<1x256x512xf32>
      tpu.vector_store %arg11[%swap3A, %swap3A_76, %swap3A_77], %swap3A_80 {strides = array<i32>} : memref<1x256x512xf32, #tpu.memory_space<vmem>>, vector<1x256x512xf32>,
    } else {
    }
    return
  }
  func.func @transform_0(%arg0: i32, %arg1: i32, %arg2: i32) -> (i32, i32, i32, i32) {
    %c0_i32 = arith.constant 0 : i32
    %c0_i32_0 = arith.constant 0 : i32
    return %arg0, %arg2, %arg1, %c0_i32 : i32, i32, i32, i32
  }
  func.func @transform_1(%arg0: i32, %arg1: i32, %arg2: i32) -> (i32, i32, i32) {
    %c0_i32 = arith.constant 0 : i32
    %c0_i32_0 = arith.constant 0 : i32
    %c0_i32_1 = arith.constant 0 : i32
    return %arg0, %c0_i32, %c0_i32_0 : i32, i32, i32
  }
  func.func @transform_2(%arg0: i32, %arg1: i32, %arg2: i32) -> (i32, i32, i32) {
    %mul3A = arith.constant 8 : i32
    %mul3A_0 = arith.muli %arg0, %mul3A : i32
    %add3A = arith.addi %mul3A_0, %arg2 : i32
    %mul3A_1 = arith.constant 8 : i32
    %mul3A_2 = arith.muli %add3A, %mul3A_1 : i32
    %add3A_3 = arith.addi %mul3A_2, %arg1 : i32
    %c0_i32 = arith.constant 0 : i32
    %c0_i32_4 = arith.constant 0 : i32
    %c0_i32_5 = arith.constant 0 : i32
    return %add3A_3, %c0_i32, %c0_i32_4 : i32, i32, i32
  }
  func.func @transform_3(%arg0: i32, %arg1: i32, %arg2: i32) -> (i32, i32, i32) {
    %c0_i32 = arith.constant 0 : i32
    %c0_i32_0 = arith.constant 0 : i32
    %c0_i32_1 = arith.constant 0 : i32
    return %arg0, %c0_i32, %c0_i32_0 : i32, i32, i32
  }
  func.func @transform_4(%arg0: i32, %arg1: i32, %arg2: i32) -> (i32, i32, i32) {
    %c0_i32 = arith.constant 0 : i32
    %c0_i32_0 = arith.constant 0 : i32
    %c0_i32_1 = arith.constant 0 : i32
    return %arg0, %c0_i32, %c0_i32_0 : i32, i32, i32
  }
  func.func @transform_5(%arg0: i32, %arg1: i32, %arg2: i32) -> (i32, i32, i32) {
    %c0_i32 = arith.constant 0 : i32
    %c0_i32_0 = arith.constant 0 : i32
    %c0_i32_1 = arith.constant 0 : i32
    return %arg0, %c0_i32, %c0_i32_0 : i32, i32, i32
  }
  func.func @transform_6(%arg0: i32, %arg1: i32, %arg2: i32) -> (i32, i32) {
    %c0_i32 = arith.constant 0 : i32
    %c0_i32_0 = arith.constant 0 : i32
    return %arg2, %c0_i32 : i32, i32
  }
  func.func @transform_7(%arg0: i32, %arg1: i32, %arg2: i32) -> (i32, i32, i32) {
    %c0_i32 = arith.constant 0 : i32
    %c0_i32_0 = arith.constant 0 : i32
    %c0_i32_1 = arith.constant 0 : i32
    %c0_i32_2 = arith.constant 0 : i32
    return %c0_i32, %c0_i32_0, %c0_i32_1 : i32, i32, i32
  }
  func.func @transform_8(%arg0: i32, %arg1: i32, %arg2: i32) -> (i32, i32, i32) {
    %c0_i32 = arith.constant 0 : i32
    %c0_i32_0 = arith.constant 0 : i32
    return %arg0, %arg1, %c0_i32 : i32, i32, i32
  }
}

</mosaic_0001>

<sc_bundles>
// kernel: kernel.6.cloned.1.call-start
scs
__scs_entry_jumppad:
0x0: {  	(pc) =	sbr.rel $0x88, $3  }
0x1: {  	(tag) =	ssettag $0x0;
	lr =	simm.s32 $0x1  }
0x2: {  	[smem:$0x3F9B] =	sst lr;
	_ =	strace $0xD0000000  }
0x3: {  	_ = 	snop  }
0x4: {  	_ = 	snop  }
0x5: {  	_ = 	snop  }
0x6: {  	_ = 	snop  }
0x7: {  	_ = 	snop  }
__scs_overlays_trampoline_lowered:
0x8: {  	[smem:$0x3FAA] =	sst s0  }
0x9: {  	[smem:$0x3FAB] =	sst s1  }
0xa: {  	[smem:$0x3FAC] =	sst s2  }
0xb: {  	[smem:$0x3FAD] =	sst s3  }
0xc: {  	[smem:$0x3FAE] =	sst s4  }
0xd: {  	[smem:$0x3FAF] =	sst s5  }
0xe: {  	[smem:$0x3FB0] =	sst s6  }
0xf: {  	[smem:$0x3FB1] =	sst s7  }
0x10: {  	[smem:$0x3FB2] =	sst s8  }
0x11: {  	[smem:$0x3FB3] =	sst s9;
	s0 =	simm.s32 @!p0 $0x0  }
0x12: {  	s1 =	sld [smem:$0x3F99];
	s0 =	simm.s32 @p0 $0x1  }
0x13: {  	[smem:$0x3FB4] =	sst s0;
	s0 =	simm.s32 @!p1 $0x0  }
0x14: {  	s2 =	sld [smem:$0x3F98];
	s0 =	simm.s32 @p1 $0x1  }
0x15: {  	[smem:$0x3FB5] =	sst s0;
	s0 =	simm.s32 @!p2 $0x0  }
0x16: {  	s3 =	sld [smem:$0x3FDB];
	s0 =	simm.s32 @p2 $0x1  }
0x17: {  	s4 =	simm.s32 $0x1BF5;
	[smem:$0x3FB7] =	sst s0  }
0x18: {  	s0 =	sld [smem:$0x3F9A];
	_ =	swait.ge [sflag:s4], $0x0  }
0x19: {  	s7 =	sld [smem:$0x3F9B]  }
0x1a: {  	s8 =	sadd.s32 $0xFFFFE003, lr  }
0x1b: {  	s9 =	sadd.s32 $0xFFFFFEF7, lr;
	s5 =	simm.s32 $0xFFFFFFFF;
	p2 =	slt.u32 s8, $0xFFFFF086  }
0x1c: {  	p1 =	slt.u32 s9, $0xF7A;
	s5 =	simm.s32 @!p2 $0x0  }
0x1d: {  	s5 =	simm.s32 @p1 $0x1;
	p0 =	seq.s32 s7, s2  }
0x1e: {  	s7 =	smul.u32 @!p0 $0xF7A, s2;
	p2 =	seq.s32 @!p0 s5, $0x0  }
0x1f: {  	s9 =	smul.u32 $0xF7A, s1;
	s8 =	simm.s32 @!p0 $0x1BF5;
	p2 =	por !p2, p0  }
0x20: {  	[sflag:s8] =	ssyncset.s32 @!p0 $0xFFFFF086;
	s6 =	sadd.s32 @!p0 s3, s7;
	s7 =	simm.s32 @!p0 $0x108  }
0x21: {  	s3 =	sadd.s32 s3, s9;
	s6 =	sadd.s32 @!p0 $0x88, s6;
	s7 =	simm.s32 @p2 $0x1082  }
0x22: {  	[simem:s7], [sflag:s8] =	dma.local @!p0 [hbm:s6], $0xF7A  }
0x23: {  	s9 =	sor.u32 $0xD0000000, s2;
	s6 =	simm.s32 $0x108;
	_ =	swait.ge @!p0 [sflag:s8], $0x0  }
0x24: {  	s3 =	sadd.s32 $0x88, s3;
	s6 =	simm.s32 @!p1 $0x1082;
	[sflag:s4] =	ssyncset.s32 $0xFFFFF086  }
0x25: {  	[simem:s6], [sflag:s4] =	dma.local [hbm:s3], $0xF7A  }
0x26: {  	[smem:$0x3F9B] =	sst s1;
	(tag) =	ssettag s2;
	_ =	strace s9  }
0x27: {  	s1 =	sld [smem:$0x3FAB]  }
0x28: {  	s2 =	sld [smem:$0x3FAC]  }
0x29: {  	s4 =	sld [smem:$0x3FAE]  }
0x2a: {  	p0 =	seq.s32 s5, $0x0;
	s5 =	sld [smem:$0x3FAF]  }
0x2b: {  	s6 =	sld [smem:$0x3FB0]  }
0x2c: {  	s7 =	sld [smem:$0x3FB1]  }
0x2d: {  	s3 =	simm.s32 $0x108;
	s8 =	sld [smem:$0x3FB2]  }
0x2e: {  	s3 =	simm.s32 @!p0 $0x1082;
	s9 =	sld [smem:$0x3FB3]  }
0x2f: {  	lr =	sadd.s32 s0, s3;
	s0 =	sld [smem:$0x3FAA]  }
0x30: {  	s3 =	sld [smem:$0x3FAD]  }
0x31: {  	[smem:$0x3FB6] =	sst s10  }
0x32: {  	s10 =	sld [smem:$0x3FB4];
	_ =	sdelay $0x3  }
0x33: {  	p0 =	seq.s32 s10, $0x1;
	s10 =	sld [smem:$0x3FB6];
	_ =	sdelay $0x3  }
0x34: {  	[smem:$0x3FB6] =	sst s10  }
0x35: {  	s10 =	sld [smem:$0x3FB5];
	_ =	sdelay $0x3  }
0x36: {  	p1 =	seq.s32 s10, $0x1;
	s10 =	sld [smem:$0x3FB6];
	_ =	sdelay $0x3  }
0x37: {  	[smem:$0x3FB6] =	sst s10  }
0x38: {  	s10 =	sld [smem:$0x3FB7]  }
0x39: {  	_ = 	snop;
	(pc) =	sbr.ind lr, $3  }
0x3a: {  	_ = 	snop  }
0x3b: {  	_ = 	snop  }
0x3c: {  	p2 =	seq.s32 s10, $0x1;
	s10 =	sld [smem:$0x3FB6]  }
0x3d: {  	_ =	shalt  }
0x3e: {  	_ =	shalt  }
0x3f: {  	_ =	shalt  }
0x40: {  	_ =	shalt  }
0x41: {  	_ =	shalt  }
0x42: {  	_ =	shalt  }
0x43: {  	_ =	shalt  }
0x44: {  	_ =	shalt  }
0x45: {  	_ =	shalt  }
0x46: {  	_ =	shalt  }
0x47: {  	_ =	shalt  }
0x48: {  	_ =	shalt  }
0x49: {  	_ =	shalt  }
0x4a: {  	_ =	shalt  }
0x4b: {  	_ =	shalt  }
0x4c: {  	_ =	shalt  }
0x4d: {  	_ =	shalt  }
0x4e: {  	_ =	shalt  }
0x4f: {  	_ =	shalt  }
0x50: {  	_ =	shalt  }
0x51: {  	_ =	shalt  }
0x52: {  	_ =	shalt  }
0x53: {  	_ =	shalt  }
0x54: {  	_ =	shalt  }
0x55: {  	_ =	shalt  }
0x56: {  	_ =	shalt  }
0x57: {  	_ =	shalt  }
0x58: {  	_ =	shalt  }
0x59: {  	_ =	shalt  }
0x5a: {  	_ =	shalt  }
0x5b: {  	_ =	shalt  }
0x5c: {  	_ =	shalt  }
0x5d: {  	_ =	shalt  }
0x5e: {  	_ =	shalt  }
0x5f: {  	_ =	shalt  }
0x60: {  	_ =	shalt  }
0x61: {  	_ =	shalt  }
0x62: {  	_ =	shalt  }
0x63: {  	_ =	shalt  }
0x64: {  	_ =	shalt  }
0x65: {  	_ =	shalt  }
0x66: {  	_ =	shalt  }
0x67: {  	_ =	shalt  }
0x68: {  	_ =	shalt  }
0x69: {  	_ =	shalt  }
0x6a: {  	_ =	shalt  }
0x6b: {  	_ =	shalt  }
0x6c: {  	_ =	shalt  }
0x6d: {  	_ =	shalt  }
0x6e: {  	_ =	shalt  }
0x6f: {  	_ =	shalt  }
0x70: {  	_ =	shalt  }
0x71: {  	_ =	shalt  }
0x72: {  	_ =	shalt  }
0x73: {  	_ =	shalt  }
0x74: {  	_ =	shalt  }
0x75: {  	_ =	shalt  }
0x76: {  	_ =	shalt  }
0x77: {  	_ =	shalt  }
0x78: {  	_ =	shalt  }
0x79: {  	_ =	shalt  }
0x7a: {  	_ =	shalt  }
0x7b: {  	_ =	shalt  }
0x7c: {  	_ =	shalt  }
0x7d: {  	_ =	shalt  }
0x7e: {  	_ =	shalt  }
0x7f: {  	_ =	shalt  }
0x80: {  	_ =	shalt  }
0x81: {  	_ =	shalt  }
0x82: {  	_ =	shalt  }
0x83: {  	_ =	shalt  }
0x84: {  	_ =	shalt  }
0x85: {  	_ =	shalt  }
0x86: {  	_ =	shalt  }
0x87: {  	_ =	shalt  }
.Lfunc_end0:
.L_simem_size_0:
called_computation_lowered:
.L_overlay_start_0:
0x88: {  	s2 =	sld [smem:$0x3FD9]  }
0x89: {  	s3 =	sld [smem:$0x3FFE];
	_ =	sdelay $0x1  }
0x8a: {  	s1 =	srdreg.scid  }
0x8b: {  	s0 =	sand.u32 $0x1, s1  }
0x8c: {  	s16 =	sshll.u32 s0, $0xA;
	s2 =	sadd.s32 s3, s2  }
0x8d: {  	s2 =	sadd.s32 s2, s16  }
0x8e: {  	[smem:$0x3FC2] =	sst s2  }
0x8f: {  	_ = 	snop  }
0x90: {  	(tm) =	ssettm $0x1  }
0x91: {  	s17 =	sld [smem:$0x3FFB];
	_ =	sdelay $0x3  }
0x92: {  	_ =	strace s17  }
0x93: {  	s2 =	sld [smem:$0x3FFC];
	_ =	sdelay $0x3  }
0x94: {  	_ =	strace s2  }
0x95: {  	s2 =	sld [smem:$0x3FFD];
	_ =	sdelay $0x3  }
0x96: {  	_ =	strace s2  }
0x97: {  	_ =	strace $0x8FFFFFFF  }
0x98: {  	s18 =	sld [smem:$0x3FDB];
	_ =	sdelay $0x1  }
0x99: {  	s19 =	simm.s32 $_scs_section_size  }
0x9a: {  	s4 =	simm.s32 $_size__tile_overlayer_lowered;
	s5 =	simm.s32 $_tile_overlayer_lowered  }
0x9b: {  	s22 =	simm.s32 $0x1BFF;
	s21 =	sshll.u32 s5, $0x1;
	s2 =	sadd.s32 s19, s18  }
0x9c: {  	s6 =	simm.s32 $0x0;
	s20 =	sshll.u32 s4, $0x1;
	s4 =	sadd.s32 s21, s2  }
0x9d: {  	[timem:s6], [sflag:s22] =	dma.local [hbm:s4], s20  }
0x9e: {  	_ =	swait.ge [sflag:s22], s20  }
0x9f: {  	s3 =	ssub.s32 $0x0, s20;
	[sflag:s22] =	ssyncset.done $0x0  }
0xa0: {  	[sflag:s22] =	ssyncadd.s32 s3;
	_ =	sdelay $0x1  }
0xa1: {  	s23 =	simm.s32 $0x1B8B  }
0xa2: {  	_ =	swait.ge [sflag:s23], $0x1  }
0xa3: {  	[sflag:s23] =	ssyncset.done $0x0  }
0xa4: {  	s25 =	simm.s32 $0x1B8E;
	s24 =	sld [smem:$0x3FFE];
	[sflag:s23] =	ssyncadd.s32 $0xFFFFFFFF  }
0xa5: {  	s26 =	simm.s32 $execute0_lowered;
	[smem:$0x3FD2] =	sst s25  }
0xa6: {  	s4 =	sshll.u32 s26, $0x1;
	_ =	strace $0x80000046;
	[dreg:$0x1] =	wrdreg $0xFFFFFFFF  }
0xa7: {  	s28 =	simm.s32 $_size_execute0_lowered;
	s2 =	sadd.s32 s2, s4;
	[dreg:$0x0] =	wrdreg $0x0  }
0xa8: {  	s4 =	sshll.u32 s28, $0x1;
	[dreg:$0x2] =	wrdreg s2  }
0xa9: {  	[dreg:$0x3] =	wrdreg s4  }
0xaa: {  	[dreg:$0x4] =	wrdreg $0xC0  }
0xab: {  	_ =	task [dreg:s6], $0x5FFFF  }
0xac: {  	[dreg:$0x1] =	wrdreg $0xFFFFFFFF  }
0xad: {  	[dreg:$0x0] =	wrdreg $0x60  }
0xae: {  	[dreg:$0x2] =	wrdreg s24  }
0xaf: {  	[dreg:$0x3] =	wrdreg $0x9  }
0xb0: {  	_ =	task.clear_ibuf [dreg:s6], $0x4FFFF;
	_ =	strace $0x90000046  }
0xb1: {  	s29 =	simm.s32 $0x9;
	_ =	strace $0x80000048  }
0xb2: {  	_ =	swait.ge [sflag:s29], $0x1  }
0xb3: {  	[sflag:s29] =	ssyncadd.s32 $0xFFFFFFFF  }
0xb4: {  	_ =	strace $0x90000048  }
0xb5: {  	_ =	sfence  }
0xb6: {  	s30 =	sld [smem:$0x0];
	_ =	sdelay $0x2  }
0xb7: {  	s31 =	sshll.u32 s1, $0xD;
	s1 =	sshrl.u32 s1, $0x2  }
0xb8: {  	s3 =	sand.u32 $0x4000, s31;
	s1 =	sadd.s32 s1, s30  }
0xb9: {  	s0 =	sor.u32 s3, s0;
	s1 =	sshll.u32 s1, $0x11  }
0xba: {  	s0 =	sor.u32 s1, s0  }
0xbb: {  	s0 =	sadd.s32 $0x8F2B, s0  }
0xbc: {  	[sflag:s0] =	ssyncadd.remote.s32 $0x1  }
0xbd: {  	_ =	sfence.sel $0xFFFF  }
0xbe: {  	[dreg:$0x0] =	wrdreg $0xFFFFFFFF;
	(pc) =	sbr.abs _section_cstart, $3  }
0xbf: {  	[dreg:$0x1] =	wrdreg $0xFFFFFFFF  }
0xc0: {  	_ =	task.clear_ibuf [dreg:s6], $0x2FFFF;
	_ =	strace $0x9FFFFFFF  }
0xc1: {  	(tm) =	ssettm $0x7FFFFFFF  }
tec
execute0_lowered:
.L_overlay_start_1:
0x0: {  	(tag) =	ssettag $0x1  }
0x1: {  	s4 =	rddreg [dreg:$0x0]  }
0x2: {  	s0 =	rddreg [dreg:$0x1];
	s2 =	simm.s32 $0x0  }
0x3: {  	s3 =	srdreg.scid;
	s1 =	stileid.u32;
	s10 =	simm.s32 $0x8000  }
0x4: {  	s11 =	simm.s32 $0x2;
	s12 =	simm.s32 $0x10000;
	s13 =	simm.s32 $0x3  }
0x5: {  	s14 =	simm.s32 $0x0;
	s28 =	simm.s32 $0x0;
	[smem:$0x7FF] =	sst s2  }
0x6: {  	s5 =	sand.u32 $0x1, s3;
	s30 =	sshll.u32 s1, $0x1;
	s3 =	sadd.s32 $0x9E00, s4  }
.Ltmp0:
0x7: {  	s6 =	sor.u32 s5, s30;
	s5 =	ssub.s32 $0x2, s5;
	(pc) =	sbr.rel .LBB2_1-.Ltmp0, $4  }
0x8: {  	_ =	strace $0x80000047;
	s7 =	sshll.u32 s6, $0x7;
	s31 =	sshrl.u32 s5, $0x1  }
0x9: {  	s8 =	sshll.u32 s6, $0x12;
	s9 =	ssub.s32 s5, s31;
	s5 =	sshll.u32 s6, $0x6  }
0xa: {  	s7 =	sadd.s32 s7, s4;
	s4 =	sadd.s32 s3, s8;
	s6 =	sor.u32 $0x2, s5  }
0xb: {  	v0 =	vimm.s32 $0x0;
	v1 =	vlaneseq.u32;
	s7 =	sadd.s32 $0x889E00, s7;
	s8 =	smax.u32 s9, $0x1;
	s9 =	simm.s32 $0x1  }
.LBB2_27:
0xc: {  	s14 =	sadd.s32 $0x1, s14  }
0xd: {  	p0 =	sne.s32 s14, s8  }
.Ltmp1:
0xe: {  	_ = 	snop;
	(pc) =	sbr.rel @!p0 .LBB2_28-.Ltmp1, $4  }
0xf: {  	[hbm4b:s7+s2] =	stream.linear.scatter [tilespmem:s12], [sflag:$0x3], $0x400, $0x38;
	[tilespmem:$0x10400] =	vst v63  }
0x10: {  	_ =	swait.ge [sflag:s13], $0x400  }
0x11: {  	[sflag:s13] =	ssyncset.done $0x0  }
0x12: {  	[sflag:s13] =	ssyncadd.s32 $0xFFFFFC00  }
.LBB2_1:
.Ltmp2:
0x13: {  	(pc) =	sbr.rel .LBB2_2-.Ltmp2, $3  }
0x14: {  	_ =	sdelay $0x1  }
0x15: {  	[tilespmem:s2], [sflag:$0x1] =	stream.linear.gather [hbm4b:s4+s2], $0x8000, $0x38;
	[tilespmem:$0x10400] =	vst v63  }
0x16: {  	s15 =	simm.s32 $0x0  }
.LBB2_26:
0x17: {  	s15 =	sadd.s32 $0x1, s15  }
0x18: {  	p0 =	sne.s32 s15, $0x20  }
.Ltmp3:
0x19: {  	_ = 	snop;
	(pc) =	sbr.rel @!p0 .LBB2_27-.Ltmp3, $4  }
0x1a: {  	_ = 	snop  }
0x1b: {  	s16 =	sshll.u32 s16, $0x4  }
0x1c: {  	s16 =	sand.u32 $0x3FFFFFF0, s16  }
0x1d: {  	[tilespmem:s16+$0x10000] =	vst v2  }
.LBB2_2:
0x1e: {  	s16 =	sshllo.u32 s15, $0x1  }
0x1f: {  	s17 =	sadd.s32 s5, s16  }
.Ltmp4:
0x20: {  	_ =	swait.ge [sflag:s9], $0x8000;
	s17 =	sshll.u32 s17, $0xC;
	(pc) =	sbr.rel .LBB2_3-.Ltmp4, $4  }
0x21: {  	[sflag:s9] =	ssyncset.done $0x0;
	s17 =	sand.u32 $0x1FFFF000, s17  }
0x22: {  	s18 =	simm.s32 $0x0;
	[sflag:s9] =	ssyncadd.s32 $0xFFFF8000;
	s17 =	sadd.s32 s3, s17  }
0x23: {  	[tilespmem:s10], [sflag:$0x2] =	stream.linear.gather [hbm4b:s17+s18], $0x8000, $0x38;
	[tilespmem:$0x10400] =	vst v63  }
0x24: {  	v2 =	vimm.f32 $0.0e+00;
	s19 =	simm.s32 $0x0;
	s20 =	simm.s32 $0x0;
	s17 =	sshll.u32 s15, $0x1  }
.LBB2_13:
0x25: {  	v3 =	vmov s20;
	s20 =	sadd.s32 $0x1, s20  }
0x26: {  	p0 =	sne.s32 s20, $0x10  }
.Ltmp5:
0x27: {  	_ = 	snop;
	(pc) =	sbr.rel @!p0 .LBB2_14-.Ltmp5, $3  }
0x28: {  	_ =	sdelay $0x1  }
0x29: {  	vm0 =	veq.s32 v3, v1  }
0x2a: {  	s19 =	sadd.s32 $0x800, s19;
	s18 =	sadd.s32 $0x1, s18;
	v2 =	vsel vm0, v4, v2  }
.LBB2_3:
0x2b: {  	s21 =	sshll.u32 s19, $0x2;
	s22 =	sand.u32 $0x7, s18  }
0x2c: {  	s21 =	sand.u32 $0xFFFF0000, s21;
	s22 =	sshll.u32 s22, $0x9  }
0x2d: {  	s21 =	sor.u32 s22, s21  }
0x2e: {  	s21 =	sshrl.u32 s21, $0x2  }
0x2f: {  	s21 =	sor.u32 $0x40, s21  }
0x30: {  	v3 =	vmov s21;
	_ =	sdelay $0x3  }
0x31: {  	s23 =	simm.s32 $0x0  }
0x32: {  	v7 =	vld.idx.msk [tilespmem:v3+s23+$0xFFFFFFC0 ss:$0x1], $0xffff  }
0x33: {  	v9 =	vld.idx.msk [tilespmem:v3+s23+$0xFFFFFFD0 ss:$0x1], $0xffff  }
0x34: {  	v8 =	vld.idx.msk [tilespmem:v3+s23+$0xFFFFFFE0 ss:$0x1], $0xffff  }
0x35: {  	v6 =	vld.idx.msk [tilespmem:v3+s23+$0xFFFFFFF0 ss:$0x1], $0xffff  }
0x36: {  	v4 =	vld.idx.msk [tilespmem:v3+s23+$0x0 ss:$0x1], $0xffff  }
0x37: {  	v10 =	vimm.f32 $-1.000000020e+30;
	v5 =	vld.idx.msk [tilespmem:v3+s23+$0x10 ss:$0x1], $0xffff  }
0x38: {  	v10 =	vmax.f32 v10, v7;
	v7 =	vld.idx.msk [tilespmem:v3+s23+$0x20 ss:$0x1], $0xffff  }
0x39: {  	s22 =	simm.s32 $0x2000;
	s21 =	simm.s32 $0x400;
	v10 =	vmax.f32 v10, v9;
	v9 =	vld.idx.msk [tilespmem:v3+s23+$0x30 ss:$0x1], $0xffff  }
.LBB2_4:
0x3a: {  	p0 =	sne.s32 s22, $0xF000;
	v11 =	vld.idx.msk [tilespmem:v3+s21+$0xFFFFFFC0 ss:$0x1], $0xffff;
	v8 =	vmax.f32 v10, v8  }
0x3b: {  	v10 =	vld.idx.msk [tilespmem:v3+s21+$0xFFFFFFD0 ss:$0x1], $0xffff;
	v6 =	vmax.f32 v8, v6  }
0x3c: {  	v8 =	vld.idx.msk [tilespmem:v3+s21+$0xFFFFFFE0 ss:$0x1], $0xffff;
	v4 =	vmax.f32 v6, v4  }
.Ltmp6:
0x3d: {  	v6 =	vld.idx.msk [tilespmem:v3+s21+$0xFFFFFFF0 ss:$0x1], $0xffff;
	v5 =	vmax.f32 v4, v5;
	(pc) =	sbr.rel @p0 .LBB2_4-.Ltmp6, $4  }
0x3e: {  	v4 =	vld.idx.msk [tilespmem:v3+s21+$0x0 ss:$0x1], $0xffff;
	v7 =	vmax.f32 v5, v7  }
0x3f: {  	v5 =	vld.idx.msk [tilespmem:v3+s21+$0x10 ss:$0x1], $0xffff;
	v7 =	vmax.f32 v7, v9  }
0x40: {  	v9 =	vmax.f32 v7, v11;
	v7 =	vld.idx.msk [tilespmem:v3+s21+$0x20 ss:$0x1], $0xffff  }
0x41: {  	v10 =	vmax.f32 v9, v10;
	v9 =	vld.idx.msk [tilespmem:v3+s21+$0x30 ss:$0x1], $0xffff;
	s21 =	sshra.s32 s22, $0x2;
	s22 =	sadd.s32 $0x1000, s22  }
0x42: {  	_ =	sdelay $0x2  }
0x43: {  	v8 =	vmax.f32 v10, v8  }
0x44: {  	v10 =	vld.idx.msk [tilespmem:v3+s21+$0xFFFFFFC0 ss:$0x1], $0xffff;
	v6 =	vmax.f32 v8, v6  }
0x45: {  	v8 =	vld.idx.msk [tilespmem:v3+s21+$0xFFFFFFD0 ss:$0x1], $0xffff;
	v4 =	vmax.f32 v6, v4  }
0x46: {  	v6 =	vld.idx.msk [tilespmem:v3+s21+$0xFFFFFFE0 ss:$0x1], $0xffff;
	v4 =	vmax.f32 v4, v5  }
0x47: {  	v5 =	vld.idx.msk [tilespmem:v3+s21+$0xFFFFFFF0 ss:$0x1], $0xffff;
	v4 =	vmax.f32 v4, v7  }
0x48: {  	v7 =	vld.idx.msk [tilespmem:v3+s21+$0x0 ss:$0x1], $0xffff;
	v4 =	vmax.f32 v4, v9  }
0x49: {  	v9 =	vld.idx.msk [tilespmem:v3+s21+$0x10 ss:$0x1], $0xffff;
	v4 =	vmax.f32 v4, v10  }
0x4a: {  	v10 =	vld.idx.msk [tilespmem:v3+s21+$0x20 ss:$0x1], $0xffff;
	v4 =	vmax.f32 v4, v8  }
0x4b: {  	v8 =	vld.idx.msk [tilespmem:v3+s21+$0x30 ss:$0x1], $0xffff;
	v4 =	vmax.f32 v4, v6  }
0x4c: {  	v4 =	vmax.f32 v4, v5  }
0x4d: {  	v4 =	vmax.f32 v4, v7  }
0x4e: {  	v4 =	vmax.f32 v4, v9  }
0x4f: {  	v4 =	vmax.f32 v4, v10  }
0x50: {  	v4 =	vmax.f32 v4, v8  }
0x51: {  	(xrf0) =	vmax.scan.msk.f32 $0xffff, v4;
	_ =	sdelay $0x5  }
0x52: {  	v4, _, _ =	vpop (xrf0)  }
0x53: {  	(v2sf) =	vpush v4, $0xF;
	_ =	sdelay $0xb  }
0x54: {  	s25 =	simm.s32 $0x0  }
0x55: {  	v6 =	vld.idx.msk [tilespmem:v3+s25+$0x10 ss:$0x1], $0xffff  }
0x56: {  	v5 =	vld.idx.msk [tilespmem:v3+s25+$0xFFFFFFC0 ss:$0x1], $0xffff  }
0x57: {  	v8 =	vld.idx.msk [tilespmem:v3+s25+$0xFFFFFFD0 ss:$0x1], $0xffff;
	s22 =	spop (v2sf)  }
0x58: {  	v10 =	vld.idx.msk [tilespmem:v3+s25+$0xFFFFFFE0 ss:$0x1], $0xffff;
	s21 =	sadd.f32 $-6.000000240e-01, s22  }
0x59: {  	v9 =	vld.idx.msk [tilespmem:v3+s25+$0xFFFFFFF0 ss:$0x1], $0xffff  }
0x5a: {  	v7 =	vld.idx.msk [tilespmem:v3+s25+$0x0 ss:$0x1], $0xffff;
	v4 =	vmov s21  }
0x5b: {  	vm0 =	vge.f32 v5, v4;
	v5 =	vld.idx.msk [tilespmem:v3+s25+$0x20 ss:$0x1], $0xffff  }
0x5c: {  	v12 =	vimm.s32 $0x0;
	s23 =	simm.s32 $0x400;
	s24 =	simm.s32 $0x2000;
	v11 =	vsel vm0, $0x1, v0;
	vm0 =	vge.f32 v8, v4;
	v8 =	vld.idx.msk [tilespmem:v3+s25+$0x30 ss:$0x1], $0xffff  }
.LBB2_6:
0x5d: {  	p0 =	sne.s32 s24, $0xF000;
	v13 =	vld.idx.msk [tilespmem:v3+s23+$0xFFFFFFC0 ss:$0x1], $0xffff;
	v14 =	vsel vm0, $0x1, v0;
	vm0 =	vge.f32 v10, v4;
	v10 =	vadd.s32 v11, v12  }
0x5e: {  	v12 =	vld.idx.msk [tilespmem:v3+s23+$0xFFFFFFD0 ss:$0x1], $0xffff;
	v11 =	vsel vm0, $0x1, v0;
	vm0 =	vge.f32 v9, v4;
	v9 =	vadd.s32 v14, v10  }
0x5f: {  	v10 =	vld.idx.msk [tilespmem:v3+s23+$0xFFFFFFE0 ss:$0x1], $0xffff;
	v14 =	vsel vm0, $0x1, v0;
	vm0 =	vge.f32 v7, v4;
	v7 =	vadd.s32 v11, v9  }
.Ltmp7:
0x60: {  	v9 =	vld.idx.msk [tilespmem:v3+s23+$0xFFFFFFF0 ss:$0x1], $0xffff;
	v11 =	vsel vm0, $0x1, v0;
	vm0 =	vge.f32 v6, v4;
	v6 =	vadd.s32 v14, v7;
	(pc) =	sbr.rel @p0 .LBB2_6-.Ltmp7, $4  }
0x61: {  	v7 =	vld.idx.msk [tilespmem:v3+s23+$0x0 ss:$0x1], $0xffff;
	v14 =	vsel vm0, $0x1, v0;
	vm0 =	vge.f32 v5, v4;
	v5 =	vadd.s32 v11, v6  }
0x62: {  	v6 =	vld.idx.msk [tilespmem:v3+s23+$0x10 ss:$0x1], $0xffff;
	v11 =	vsel vm0, $0x1, v0;
	vm0 =	vge.f32 v8, v4;
	v8 =	vadd.s32 v14, v5  }
0x63: {  	vm1 =	vge.f32 v13, v4;
	v5 =	vld.idx.msk [tilespmem:v3+s23+$0x20 ss:$0x1], $0xffff;
	v13 =	vsel vm0, $0x1, v0;
	v14 =	vadd.s32 v11, v8  }
0x64: {  	v11 =	vsel vm1, $0x1, v0;
	vm0 =	vge.f32 v12, v4;
	v8 =	vld.idx.msk [tilespmem:v3+s23+$0x30 ss:$0x1], $0xffff;
	s23 =	sshra.s32 s24, $0x2;
	s24 =	sadd.s32 $0x1000, s24;
	v12 =	vadd.s32 v13, v14  }
0x65: {  	_ =	sdelay $0x2  }
0x66: {  	v13 =	vsel vm0, $0x1, v0;
	vm15 =	vge.f32 v10, v4;
	v48 =	vadd.s32 v11, v12  }
0x67: {  	v49 =	vld.idx.msk [tilespmem:v3+s23+$0xFFFFFFC0 ss:$0x1], $0xffff;
	vm4 =	vge.f32 v9, v4;
	v50 =	vsel vm15, $0x1, v0;
	v51 =	vadd.s32 v13, v48  }
0x68: {  	v52 =	vld.idx.msk [tilespmem:v3+s23+$0xFFFFFFD0 ss:$0x1], $0xffff;
	v53 =	vsel vm4, $0x1, v0;
	vm5 =	vge.f32 v7, v4;
	v7 =	vadd.s32 v50, v51  }
0x69: {  	v54 =	vld.idx.msk [tilespmem:v3+s23+$0xFFFFFFE0 ss:$0x1], $0xffff;
	v55 =	vsel vm5, $0x1, v0;
	vm6 =	vge.f32 v6, v4;
	v6 =	vadd.s32 v53, v7  }
0x6a: {  	v7 =	vld.idx.msk [tilespmem:v3+s23+$0xFFFFFFF0 ss:$0x1], $0xffff;
	v56 =	vsel vm6, $0x1, v0;
	vm7 =	vge.f32 v5, v4;
	v5 =	vadd.s32 v55, v6  }
0x6b: {  	v6 =	vld.idx.msk [tilespmem:v3+s23+$0x0 ss:$0x1], $0xffff;
	v57 =	vsel vm7, $0x1, v0;
	vm8 =	vge.f32 v8, v4;
	v5 =	vadd.s32 v56, v5  }
0x6c: {  	v58 =	vld.idx.msk [tilespmem:v3+s23+$0x10 ss:$0x1], $0xffff;
	vm1 =	vge.f32 v49, v4;
	v59 =	vsel vm8, $0x1, v0;
	v5 =	vadd.s32 v57, v5  }
0x6d: {  	v60 =	vld.idx.msk [tilespmem:v3+s23+$0x20 ss:$0x1], $0xffff;
	vm9 =	vge.f32 v52, v4;
	v61 =	vsel vm1, $0x1, v0;
	v5 =	vadd.s32 v59, v5  }
0x6e: {  	v62 =	vld.idx.msk [tilespmem:v3+s23+$0x30 ss:$0x1], $0xffff;
	vm10 =	vge.f32 v54, v4;
	v63 =	vsel vm9, $0x1, v0;
	v5 =	vadd.s32 v61, v5  }
0x6f: {  	v9 =	vsel vm10, $0x1, v0;
	vm11 =	vge.f32 v7, v4;
	v5 =	vadd.s32 v63, v5  }
0x70: {  	v7 =	vsel vm11, $0x1, v0;
	vm12 =	vge.f32 v6, v4;
	v5 =	vadd.s32 v9, v5  }
0x71: {  	vm13 =	vge.f32 v58, v4;
	v6 =	vsel vm12, $0x1, v0;
	v5 =	vadd.s32 v7, v5  }
0x72: {  	vm14 =	vge.f32 v60, v4;
	v7 =	vsel vm13, $0x1, v0;
	v5 =	vadd.s32 v6, v5  }
0x73: {  	vm15 =	vge.f32 v62, v4;
	v6 =	vsel vm14, $0x1, v0;
	v5 =	vadd.s32 v7, v5  }
0x74: {  	v7 =	vsel vm15, $0x1, v0;
	v5 =	vadd.s32 v6, v5  }
0x75: {  	v5 =	vadd.s32 v7, v5  }
0x76: {  	(xrf0) =	vadd.scan.msk.s32 $0xffff, v5;
	_ =	sdelay $0x5  }
0x77: {  	v5, _, _ =	vpop (xrf0)  }
0x78: {  	(v2sf) =	vpush v5, $0xF;
	_ =	sdelay $0xe  }
0x79: {  	s31 =	spop (v2sf)  }
0x7a: {  	p0 =	slt.s32 s31, $0x21  }
.Ltmp8:
0x7b: {  	_ = 	snop;
	(pc) =	sbr.rel @p0 .LBB2_13-.Ltmp8, $1  }
0x7c: {  	_ =	sdelay $0x3  }
0x7d: {  	s23 =	sadd.f32 $1.000000000e+00, s22;
	s22 =	simm.s32 $0x0  }
.LBB2_9:
0x7e: {  	_ =	sdelay $0x3  }
0x7f: {  	v5 =	vld.idx.msk [tilespmem:v3+s28+$0xFFFFFFC0 ss:$0x1], $0xffff  }
0x80: {  	v8 =	vld.idx.msk [tilespmem:v3+s28+$0xFFFFFFD0 ss:$0x1], $0xffff;
	s24 =	sadd.f32 s23, s21  }
0x81: {  	v10 =	vld.idx.msk [tilespmem:v3+s28+$0xFFFFFFE0 ss:$0x1], $0xffff  }
0x82: {  	v9 =	vld.idx.msk [tilespmem:v3+s28+$0xFFFFFFF0 ss:$0x1], $0xffff;
	s24 =	smul.f32 $5.000000000e-01, s24  }
0x83: {  	v7 =	vld.idx.msk [tilespmem:v3+s28+$0x0 ss:$0x1], $0xffff  }
0x84: {  	v6 =	vld.idx.msk [tilespmem:v3+s28+$0x10 ss:$0x1], $0xffff;
	v4 =	vmov s24  }
0x85: {  	vm0 =	vge.f32 v5, v4;
	v5 =	vld.idx.msk [tilespmem:v3+s28+$0x20 ss:$0x1], $0xffff  }
0x86: {  	v12 =	vimm.s32 $0x0;
	s25 =	simm.s32 $0x400;
	s26 =	simm.s32 $0x2000;
	v11 =	vsel vm0, $0x1, v0;
	vm0 =	vge.f32 v8, v4;
	v8 =	vld.idx.msk [tilespmem:v3+s28+$0x30 ss:$0x1], $0xffff  }
.LBB2_10:
0x87: {  	p0 =	sne.s32 s26, $0xF000;
	v13 =	vld.idx.msk [tilespmem:v3+s25+$0xFFFFFFC0 ss:$0x1], $0xffff;
	v14 =	vsel vm0, $0x1, v0;
	vm0 =	vge.f32 v10, v4;
	v10 =	vadd.s32 v11, v12  }
0x88: {  	v12 =	vld.idx.msk [tilespmem:v3+s25+$0xFFFFFFD0 ss:$0x1], $0xffff;
	v11 =	vsel vm0, $0x1, v0;
	vm0 =	vge.f32 v9, v4;
	v9 =	vadd.s32 v14, v10  }
0x89: {  	v10 =	vld.idx.msk [tilespmem:v3+s25+$0xFFFFFFE0 ss:$0x1], $0xffff;
	v14 =	vsel vm0, $0x1, v0;
	vm0 =	vge.f32 v7, v4;
	v7 =	vadd.s32 v11, v9  }
.Ltmp9:
0x8a: {  	v9 =	vld.idx.msk [tilespmem:v3+s25+$0xFFFFFFF0 ss:$0x1], $0xffff;
	v11 =	vsel vm0, $0x1, v0;
	vm0 =	vge.f32 v6, v4;
	v6 =	vadd.s32 v14, v7;
	(pc) =	sbr.rel @p0 .LBB2_10-.Ltmp9, $4  }
0x8b: {  	v7 =	vld.idx.msk [tilespmem:v3+s25+$0x0 ss:$0x1], $0xffff;
	v14 =	vsel vm0, $0x1, v0;
	vm0 =	vge.f32 v5, v4;
	v5 =	vadd.s32 v11, v6  }
0x8c: {  	v6 =	vld.idx.msk [tilespmem:v3+s25+$0x10 ss:$0x1], $0xffff;
	v11 =	vsel vm0, $0x1, v0;
	vm0 =	vge.f32 v8, v4;
	v8 =	vadd.s32 v14, v5  }
0x8d: {  	vm1 =	vge.f32 v13, v4;
	v5 =	vld.idx.msk [tilespmem:v3+s25+$0x20 ss:$0x1], $0xffff;
	v13 =	vsel vm0, $0x1, v0;
	v14 =	vadd.s32 v11, v8  }
0x8e: {  	v11 =	vsel vm1, $0x1, v0;
	vm0 =	vge.f32 v12, v4;
	v8 =	vld.idx.msk [tilespmem:v3+s25+$0x30 ss:$0x1], $0xffff;
	s25 =	sshra.s32 s26, $0x2;
	s26 =	sadd.s32 $0x1000, s26;
	v12 =	vadd.s32 v13, v14  }
0x8f: {  	_ =	sdelay $0x2  }
0x90: {  	v13 =	vsel vm0, $0x1, v0;
	vm15 =	vge.f32 v10, v4;
	v42 =	vadd.s32 v11, v12  }
0x91: {  	v43 =	vld.idx.msk [tilespmem:v3+s25+$0xFFFFFFC0 ss:$0x1], $0xffff;
	vm4 =	vge.f32 v9, v4;
	v44 =	vsel vm15, $0x1, v0;
	v45 =	vadd.s32 v13, v42  }
0x92: {  	v46 =	vld.idx.msk [tilespmem:v3+s25+$0xFFFFFFD0 ss:$0x1], $0xffff;
	v47 =	vsel vm4, $0x1, v0;
	vm5 =	vge.f32 v7, v4;
	v48 =	vadd.s32 v44, v45  }
0x93: {  	v49 =	vld.idx.msk [tilespmem:v3+s25+$0xFFFFFFE0 ss:$0x1], $0xffff;
	v50 =	vsel vm5, $0x1, v0;
	vm6 =	vge.f32 v6, v4;
	v51 =	vadd.s32 v47, v48  }
0x94: {  	v52 =	vld.idx.msk [tilespmem:v3+s25+$0xFFFFFFF0 ss:$0x1], $0xffff;
	v53 =	vsel vm6, $0x1, v0;
	vm7 =	vge.f32 v5, v4;
	v5 =	vadd.s32 v50, v51  }
0x95: {  	v54 =	vld.idx.msk [tilespmem:v3+s25+$0x0 ss:$0x1], $0xffff;
	v55 =	vsel vm7, $0x1, v0;
	vm8 =	vge.f32 v8, v4;
	v5 =	vadd.s32 v53, v5  }
0x96: {  	v56 =	vld.idx.msk [tilespmem:v3+s25+$0x10 ss:$0x1], $0xffff;
	vm1 =	vge.f32 v43, v4;
	v57 =	vsel vm8, $0x1, v0;
	v5 =	vadd.s32 v55, v5  }
0x97: {  	v58 =	vld.idx.msk [tilespmem:v3+s25+$0x20 ss:$0x1], $0xffff;
	vm9 =	vge.f32 v46, v4;
	v59 =	vsel vm1, $0x1, v0;
	v5 =	vadd.s32 v57, v5  }
0x98: {  	v60 =	vld.idx.msk [tilespmem:v3+s25+$0x30 ss:$0x1], $0xffff;
	vm10 =	vge.f32 v49, v4;
	v61 =	vsel vm9, $0x1, v0;
	v5 =	vadd.s32 v59, v5  }
0x99: {  	vm11 =	vge.f32 v52, v4;
	v9 =	vsel vm10, $0x1, v0;
	v5 =	vadd.s32 v61, v5  }
0x9a: {  	vm12 =	vge.f32 v54, v4;
	v7 =	vsel vm11, $0x1, v0;
	v5 =	vadd.s32 v9, v5  }
0x9b: {  	vm13 =	vge.f32 v56, v4;
	v6 =	vsel vm12, $0x1, v0;
	v5 =	vadd.s32 v7, v5  }
0x9c: {  	vm14 =	vge.f32 v58, v4;
	v62 =	vsel vm13, $0x1, v0;
	v5 =	vadd.s32 v6, v5  }
0x9d: {  	vm15 =	vge.f32 v60, v4;
	v63 =	vsel vm14, $0x1, v0;
	v4 =	vadd.s32 v62, v5  }
0x9e: {  	v5 =	vsel vm15, $0x1, v0;
	v4 =	vadd.s32 v63, v4  }
0x9f: {  	v4 =	vadd.s32 v5, v4  }
0xa0: {  	(xrf0) =	vadd.scan.msk.s32 $0xffff, v4;
	_ =	sdelay $0x5  }
0xa1: {  	v4, _, _ =	vpop (xrf0)  }
0xa2: {  	(v2sf) =	vpush v4, $0xF;
	_ =	sdelay $0xe  }
0xa3: {  	s31 =	spop (v2sf)  }
0xa4: {  	s22 =	sadd.s32 $0x1, s22;
	p0 =	sgt.s32 s31, $0x20  }
0xa5: {  	s21 =	smov.u32 @p0 s24;
	s24 =	smov.u32 @p0 s23;
	p0 =	sne.s32 s22, $0x14  }
.Ltmp10:
0xa6: {  	_ = 	snop;
	(pc) =	sbr.rel @p0 .LBB2_9-.Ltmp10, $2  }
0xa7: {  	_ =	sdelay $0x2  }
0xa8: {  	s23 =	smov.u32 s24  }
.Ltmp11:
0xa9: {  	(pc) =	sbr.rel .LBB2_13-.Ltmp11, $2  }
0xaa: {  	_ =	sdelay $0x2  }
0xab: {  	v4 =	vmov s24  }
.LBB2_14:
0xac: {  	s18 =	sshll.u32 s15, $0x5  }
0xad: {  	p0 =	seq.s32 s15, $0x1F;
	s18 =	sand.u32 $0x3FFFFFE0, s18  }
0xae: {  	s17 =	sadd.s32 @!p0 s17, s6;
	[tilespmem:s18+$0x10000] =	vst v2  }
.Ltmp12:
0xaf: {  	s17 =	sshll.u32 @!p0 s17, $0xC;
	_ =	swait.ge [sflag:s11], $0x8000;
	(pc) =	sbr.rel .LBB2_15-.Ltmp12, $4  }
0xb0: {  	s17 =	sand.u32 @!p0 $0x1FFFE000, s17;
	[sflag:s11] =	ssyncset.done $0x0  }
0xb1: {  	s18 =	simm.s32 @!p0 $0x0;
	s17 =	sadd.s32 @!p0 s3, s17;
	[sflag:s11] =	ssyncadd.s32 $0xFFFF8000  }
0xb2: {  	[tilespmem:s18], [sflag:$0x1] =	stream.linear.gather @!p0 [hbm4b:s17+s18], $0x8000, $0x38;
	[tilespmem:$0x10400] =	vst v63  }
0xb3: {  	s19 =	simm.s32 $0x0;
	v2 =	vimm.f32 $0.0e+00;
	s17 =	simm.s32 $0x0;
	s18 =	simm.s32 $0x0  }
.LBB2_25:
0xb4: {  	v3 =	vmov s19;
	s19 =	sadd.s32 $0x1, s19  }
0xb5: {  	p0 =	sne.s32 s19, $0x10  }
.Ltmp13:
0xb6: {  	_ = 	snop;
	(pc) =	sbr.rel @!p0 .LBB2_26-.Ltmp13, $3  }
0xb7: {  	_ =	sdelay $0x1  }
0xb8: {  	vm0 =	veq.s32 v3, v1  }
0xb9: {  	s18 =	sadd.s32 $0x800, s18;
	s17 =	sadd.s32 $0x1, s17;
	v2 =	vsel vm0, v4, v2  }
.LBB2_15:
0xba: {  	s20 =	sshll.u32 s18, $0x2;
	s21 =	sand.u32 $0x7, s17  }
0xbb: {  	s20 =	sand.u32 $0xFFFF0000, s20;
	s21 =	sshll.u32 s21, $0x9  }
0xbc: {  	s20 =	sor.u32 s21, s20  }
0xbd: {  	s20 =	sshrl.u32 s20, $0x2  }
0xbe: {  	v3 =	vmov s20;
	_ =	sdelay $0x3  }
0xbf: {  	s22 =	simm.s32 $0x0  }
0xc0: {  	v7 =	vld.idx.msk [tilespmem:v3+s22+$0x8000 ss:$0x1], $0xffff  }
0xc1: {  	v9 =	vld.idx.msk [tilespmem:v3+s22+$0x8010 ss:$0x1], $0xffff  }
0xc2: {  	v8 =	vld.idx.msk [tilespmem:v3+s22+$0x8020 ss:$0x1], $0xffff  }
0xc3: {  	v6 =	vld.idx.msk [tilespmem:v3+s22+$0x8030 ss:$0x1], $0xffff  }
0xc4: {  	v4 =	vld.idx.msk [tilespmem:v3+s22+$0x8040 ss:$0x1], $0xffff  }
0xc5: {  	v10 =	vimm.f32 $-1.000000020e+30;
	v5 =	vld.idx.msk [tilespmem:v3+s22+$0x8050 ss:$0x1], $0xffff  }
0xc6: {  	v10 =	vmax.f32 v10, v7;
	v7 =	vld.idx.msk [tilespmem:v3+s22+$0x8060 ss:$0x1], $0xffff  }
0xc7: {  	s21 =	simm.s32 $0x2000;
	s20 =	simm.s32 $0x400;
	v10 =	vmax.f32 v10, v9;
	v9 =	vld.idx.msk [tilespmem:v3+s22+$0x8070 ss:$0x1], $0xffff  }
.LBB2_16:
0xc8: {  	p0 =	sne.s32 s21, $0xF000;
	v11 =	vld.idx.msk [tilespmem:v3+s20+$0x8000 ss:$0x1], $0xffff;
	v8 =	vmax.f32 v10, v8  }
0xc9: {  	v10 =	vld.idx.msk [tilespmem:v3+s20+$0x8010 ss:$0x1], $0xffff;
	v6 =	vmax.f32 v8, v6  }
0xca: {  	v8 =	vld.idx.msk [tilespmem:v3+s20+$0x8020 ss:$0x1], $0xffff;
	v4 =	vmax.f32 v6, v4  }
.Ltmp14:
0xcb: {  	v6 =	vld.idx.msk [tilespmem:v3+s20+$0x8030 ss:$0x1], $0xffff;
	v5 =	vmax.f32 v4, v5;
	(pc) =	sbr.rel @p0 .LBB2_16-.Ltmp14, $4  }
0xcc: {  	v4 =	vld.idx.msk [tilespmem:v3+s20+$0x8040 ss:$0x1], $0xffff;
	v7 =	vmax.f32 v5, v7  }
0xcd: {  	v5 =	vld.idx.msk [tilespmem:v3+s20+$0x8050 ss:$0x1], $0xffff;
	v7 =	vmax.f32 v7, v9  }
0xce: {  	v9 =	vmax.f32 v7, v11;
	v7 =	vld.idx.msk [tilespmem:v3+s20+$0x8060 ss:$0x1], $0xffff  }
0xcf: {  	v10 =	vmax.f32 v9, v10;
	v9 =	vld.idx.msk [tilespmem:v3+s20+$0x8070 ss:$0x1], $0xffff;
	s20 =	sshra.s32 s21, $0x2;
	s21 =	sadd.s32 $0x1000, s21  }
0xd0: {  	_ =	sdelay $0x2  }
0xd1: {  	v8 =	vmax.f32 v10, v8  }
0xd2: {  	v10 =	vld.idx.msk [tilespmem:v3+s20+$0x8000 ss:$0x1], $0xffff;
	v6 =	vmax.f32 v8, v6  }
0xd3: {  	v8 =	vld.idx.msk [tilespmem:v3+s20+$0x8010 ss:$0x1], $0xffff;
	v4 =	vmax.f32 v6, v4  }
0xd4: {  	v6 =	vld.idx.msk [tilespmem:v3+s20+$0x8020 ss:$0x1], $0xffff;
	v4 =	vmax.f32 v4, v5  }
0xd5: {  	v5 =	vld.idx.msk [tilespmem:v3+s20+$0x8030 ss:$0x1], $0xffff;
	v4 =	vmax.f32 v4, v7  }
0xd6: {  	v7 =	vld.idx.msk [tilespmem:v3+s20+$0x8040 ss:$0x1], $0xffff;
	v4 =	vmax.f32 v4, v9  }
0xd7: {  	v9 =	vld.idx.msk [tilespmem:v3+s20+$0x8050 ss:$0x1], $0xffff;
	v4 =	vmax.f32 v4, v10  }
0xd8: {  	v10 =	vld.idx.msk [tilespmem:v3+s20+$0x8060 ss:$0x1], $0xffff;
	v4 =	vmax.f32 v4, v8  }
0xd9: {  	v8 =	vld.idx.msk [tilespmem:v3+s20+$0x8070 ss:$0x1], $0xffff;
	v4 =	vmax.f32 v4, v6  }
0xda: {  	v4 =	vmax.f32 v4, v5  }
0xdb: {  	v4 =	vmax.f32 v4, v7  }
0xdc: {  	v4 =	vmax.f32 v4, v9  }
0xdd: {  	v4 =	vmax.f32 v4, v10  }
0xde: {  	v4 =	vmax.f32 v4, v8  }
0xdf: {  	(xrf0) =	vmax.scan.msk.f32 $0xffff, v4;
	_ =	sdelay $0x5  }
0xe0: {  	v4, _, _ =	vpop (xrf0)  }
0xe1: {  	(v2sf) =	vpush v4, $0xF;
	_ =	sdelay $0xb  }
0xe2: {  	s24 =	simm.s32 $0x0  }
0xe3: {  	v6 =	vld.idx.msk [tilespmem:v3+s24+$0x8050 ss:$0x1], $0xffff  }
0xe4: {  	v5 =	vld.idx.msk [tilespmem:v3+s24+$0x8000 ss:$0x1], $0xffff  }
0xe5: {  	v8 =	vld.idx.msk [tilespmem:v3+s24+$0x8010 ss:$0x1], $0xffff;
	s21 =	spop (v2sf)  }
0xe6: {  	v10 =	vld.idx.msk [tilespmem:v3+s24+$0x8020 ss:$0x1], $0xffff;
	s20 =	sadd.f32 $-6.000000240e-01, s21  }
0xe7: {  	v9 =	vld.idx.msk [tilespmem:v3+s24+$0x8030 ss:$0x1], $0xffff  }
0xe8: {  	v7 =	vld.idx.msk [tilespmem:v3+s24+$0x8040 ss:$0x1], $0xffff;
	v4 =	vmov s20  }
0xe9: {  	vm0 =	vge.f32 v5, v4;
	v5 =	vld.idx.msk [tilespmem:v3+s24+$0x8060 ss:$0x1], $0xffff  }
0xea: {  	v12 =	vimm.s32 $0x0;
	s22 =	simm.s32 $0x400;
	s23 =	simm.s32 $0x2000;
	v11 =	vsel vm0, $0x1, v0;
	vm0 =	vge.f32 v8, v4;
	v8 =	vld.idx.msk [tilespmem:v3+s24+$0x8070 ss:$0x1], $0xffff  }
.LBB2_18:
0xeb: {  	p0 =	sne.s32 s23, $0xF000;
	v13 =	vld.idx.msk [tilespmem:v3+s22+$0x8000 ss:$0x1], $0xffff;
	v14 =	vsel vm0, $0x1, v0;
	vm0 =	vge.f32 v10, v4;
	v10 =	vadd.s32 v11, v12  }
0xec: {  	v12 =	vld.idx.msk [tilespmem:v3+s22+$0x8010 ss:$0x1], $0xffff;
	v11 =	vsel vm0, $0x1, v0;
	vm0 =	vge.f32 v9, v4;
	v9 =	vadd.s32 v14, v10  }
0xed: {  	v10 =	vld.idx.msk [tilespmem:v3+s22+$0x8020 ss:$0x1], $0xffff;
	v14 =	vsel vm0, $0x1, v0;
	vm0 =	vge.f32 v7, v4;
	v7 =	vadd.s32 v11, v9  }
.Ltmp15:
0xee: {  	v9 =	vld.idx.msk [tilespmem:v3+s22+$0x8030 ss:$0x1], $0xffff;
	v11 =	vsel vm0, $0x1, v0;
	vm0 =	vge.f32 v6, v4;
	v6 =	vadd.s32 v14, v7;
	(pc) =	sbr.rel @p0 .LBB2_18-.Ltmp15, $4  }
0xef: {  	v7 =	vld.idx.msk [tilespmem:v3+s22+$0x8040 ss:$0x1], $0xffff;
	v14 =	vsel vm0, $0x1, v0;
	vm0 =	vge.f32 v5, v4;
	v5 =	vadd.s32 v11, v6  }
0xf0: {  	v6 =	vld.idx.msk [tilespmem:v3+s22+$0x8050 ss:$0x1], $0xffff;
	v11 =	vsel vm0, $0x1, v0;
	vm0 =	vge.f32 v8, v4;
	v8 =	vadd.s32 v14, v5  }
0xf1: {  	vm1 =	vge.f32 v13, v4;
	v5 =	vld.idx.msk [tilespmem:v3+s22+$0x8060 ss:$0x1], $0xffff;
	v13 =	vsel vm0, $0x1, v0;
	v14 =	vadd.s32 v11, v8  }
0xf2: {  	v11 =	vsel vm1, $0x1, v0;
	vm0 =	vge.f32 v12, v4;
	v8 =	vld.idx.msk [tilespmem:v3+s22+$0x8070 ss:$0x1], $0xffff;
	s22 =	sshra.s32 s23, $0x2;
	s23 =	sadd.s32 $0x1000, s23;
	v12 =	vadd.s32 v13, v14  }
0xf3: {  	_ =	sdelay $0x2  }
0xf4: {  	v13 =	vsel vm0, $0x1, v0;
	vm15 =	vge.f32 v10, v4;
	v48 =	vadd.s32 v11, v12  }
0xf5: {  	v49 =	vld.idx.msk [tilespmem:v3+s22+$0x8000 ss:$0x1], $0xffff;
	vm4 =	vge.f32 v9, v4;
	v50 =	vsel vm15, $0x1, v0;
	v51 =	vadd.s32 v13, v48  }
0xf6: {  	v52 =	vld.idx.msk [tilespmem:v3+s22+$0x8010 ss:$0x1], $0xffff;
	v53 =	vsel vm4, $0x1, v0;
	vm5 =	vge.f32 v7, v4;
	v7 =	vadd.s32 v50, v51  }
0xf7: {  	v54 =	vld.idx.msk [tilespmem:v3+s22+$0x8020 ss:$0x1], $0xffff;
	v55 =	vsel vm5, $0x1, v0;
	vm6 =	vge.f32 v6, v4;
	v6 =	vadd.s32 v53, v7  }
0xf8: {  	v7 =	vld.idx.msk [tilespmem:v3+s22+$0x8030 ss:$0x1], $0xffff;
	v56 =	vsel vm6, $0x1, v0;
	vm7 =	vge.f32 v5, v4;
	v5 =	vadd.s32 v55, v6  }
0xf9: {  	v6 =	vld.idx.msk [tilespmem:v3+s22+$0x8040 ss:$0x1], $0xffff;
	v57 =	vsel vm7, $0x1, v0;
	vm8 =	vge.f32 v8, v4;
	v5 =	vadd.s32 v56, v5  }
0xfa: {  	v58 =	vld.idx.msk [tilespmem:v3+s22+$0x8050 ss:$0x1], $0xffff;
	vm1 =	vge.f32 v49, v4;
	v59 =	vsel vm8, $0x1, v0;
	v5 =	vadd.s32 v57, v5  }
0xfb: {  	v60 =	vld.idx.msk [tilespmem:v3+s22+$0x8060 ss:$0x1], $0xffff;
	vm9 =	vge.f32 v52, v4;
	v61 =	vsel vm1, $0x1, v0;
	v5 =	vadd.s32 v59, v5  }
0xfc: {  	v62 =	vld.idx.msk [tilespmem:v3+s22+$0x8070 ss:$0x1], $0xffff;
	vm10 =	vge.f32 v54, v4;
	v63 =	vsel vm9, $0x1, v0;
	v5 =	vadd.s32 v61, v5  }
0xfd: {  	v9 =	vsel vm10, $0x1, v0;
	vm11 =	vge.f32 v7, v4;
	v5 =	vadd.s32 v63, v5  }
0xfe: {  	v7 =	vsel vm11, $0x1, v0;
	vm12 =	vge.f32 v6, v4;
	v5 =	vadd.s32 v9, v5  }
0xff: {  	vm13 =	vge.f32 v58, v4;
	v6 =	vsel vm12, $0x1, v0;
	v5 =	vadd.s32 v7, v5  }
0x100: {  	vm14 =	vge.f32 v60, v4;
	v7 =	vsel vm13, $0x1, v0;
	v5 =	vadd.s32 v6, v5  }
0x101: {  	vm15 =	vge.f32 v62, v4;
	v6 =	vsel vm14, $0x1, v0;
	v5 =	vadd.s32 v7, v5  }
0x102: {  	v7 =	vsel vm15, $0x1, v0;
	v5 =	vadd.s32 v6, v5  }
0x103: {  	v5 =	vadd.s32 v7, v5  }
0x104: {  	(xrf0) =	vadd.scan.msk.s32 $0xffff, v5;
	_ =	sdelay $0x5  }
0x105: {  	v5, _, _ =	vpop (xrf0)  }
0x106: {  	(v2sf) =	vpush v5, $0xF;
	_ =	sdelay $0xe  }
0x107: {  	s31 =	spop (v2sf)  }
0x108: {  	p0 =	slt.s32 s31, $0x21  }
.Ltmp16:
0x109: {  	_ = 	snop;
	(pc) =	sbr.rel @p0 .LBB2_25-.Ltmp16, $1  }
0x10a: {  	_ =	sdelay $0x3  }
0x10b: {  	s22 =	sadd.f32 $1.000000000e+00, s21;
	s21 =	simm.s32 $0x0  }
.LBB2_21:
0x10c: {  	_ =	sdelay $0x2  }
0x10d: {  	s26 =	simm.s32 $0x0  }
0x10e: {  	v5 =	vld.idx.msk [tilespmem:v3+s26+$0x8000 ss:$0x1], $0xffff  }
0x10f: {  	s23 =	sadd.f32 s22, s20;
	v8 =	vld.idx.msk [tilespmem:v3+s26+$0x8010 ss:$0x1], $0xffff  }
0x110: {  	v10 =	vld.idx.msk [tilespmem:v3+s26+$0x8020 ss:$0x1], $0xffff  }
0x111: {  	v9 =	vld.idx.msk [tilespmem:v3+s26+$0x8030 ss:$0x1], $0xffff;
	s23 =	smul.f32 $5.000000000e-01, s23  }
0x112: {  	v7 =	vld.idx.msk [tilespmem:v3+s26+$0x8040 ss:$0x1], $0xffff  }
0x113: {  	v6 =	vld.idx.msk [tilespmem:v3+s26+$0x8050 ss:$0x1], $0xffff;
	v4 =	vmov s23  }
0x114: {  	vm0 =	vge.f32 v5, v4;
	v5 =	vld.idx.msk [tilespmem:v3+s26+$0x8060 ss:$0x1], $0xffff  }
0x115: {  	v12 =	vimm.s32 $0x0;
	s24 =	simm.s32 $0x400;
	s25 =	simm.s32 $0x2000;
	v11 =	vsel vm0, $0x1, v0;
	vm0 =	vge.f32 v8, v4;
	v8 =	vld.idx.msk [tilespmem:v3+s26+$0x8070 ss:$0x1], $0xffff  }
.LBB2_22:
0x116: {  	p0 =	sne.s32 s25, $0xF000;
	v13 =	vld.idx.msk [tilespmem:v3+s24+$0x8000 ss:$0x1], $0xffff;
	v14 =	vsel vm0, $0x1, v0;
	vm0 =	vge.f32 v10, v4;
	v10 =	vadd.s32 v11, v12  }
0x117: {  	v12 =	vld.idx.msk [tilespmem:v3+s24+$0x8010 ss:$0x1], $0xffff;
	v11 =	vsel vm0, $0x1, v0;
	vm0 =	vge.f32 v9, v4;
	v9 =	vadd.s32 v14, v10  }
0x118: {  	v10 =	vld.idx.msk [tilespmem:v3+s24+$0x8020 ss:$0x1], $0xffff;
	v14 =	vsel vm0, $0x1, v0;
	vm0 =	vge.f32 v7, v4;
	v7 =	vadd.s32 v11, v9  }
.Ltmp17:
0x119: {  	v9 =	vld.idx.msk [tilespmem:v3+s24+$0x8030 ss:$0x1], $0xffff;
	v11 =	vsel vm0, $0x1, v0;
	vm0 =	vge.f32 v6, v4;
	v6 =	vadd.s32 v14, v7;
	(pc) =	sbr.rel @p0 .LBB2_22-.Ltmp17, $4  }
0x11a: {  	v7 =	vld.idx.msk [tilespmem:v3+s24+$0x8040 ss:$0x1], $0xffff;
	v14 =	vsel vm0, $0x1, v0;
	vm0 =	vge.f32 v5, v4;
	v5 =	vadd.s32 v11, v6  }
0x11b: {  	v6 =	vld.idx.msk [tilespmem:v3+s24+$0x8050 ss:$0x1], $0xffff;
	v11 =	vsel vm0, $0x1, v0;
	vm0 =	vge.f32 v8, v4;
	v8 =	vadd.s32 v14, v5  }
0x11c: {  	vm1 =	vge.f32 v13, v4;
	v5 =	vld.idx.msk [tilespmem:v3+s24+$0x8060 ss:$0x1], $0xffff;
	v13 =	vsel vm0, $0x1, v0;
	v14 =	vadd.s32 v11, v8  }
0x11d: {  	v11 =	vsel vm1, $0x1, v0;
	vm0 =	vge.f32 v12, v4;
	v8 =	vld.idx.msk [tilespmem:v3+s24+$0x8070 ss:$0x1], $0xffff;
	s24 =	sshra.s32 s25, $0x2;
	s25 =	sadd.s32 $0x1000, s25;
	v12 =	vadd.s32 v13, v14  }
0x11e: {  	_ =	sdelay $0x2  }
0x11f: {  	v13 =	vsel vm0, $0x1, v0;
	vm15 =	vge.f32 v10, v4;
	v42 =	vadd.s32 v11, v12  }
0x120: {  	v43 =	vld.idx.msk [tilespmem:v3+s24+$0x8000 ss:$0x1], $0xffff;
	vm4 =	vge.f32 v9, v4;
	v44 =	vsel vm15, $0x1, v0;
	v45 =	vadd.s32 v13, v42  }
0x121: {  	v46 =	vld.idx.msk [tilespmem:v3+s24+$0x8010 ss:$0x1], $0xffff;
	v47 =	vsel vm4, $0x1, v0;
	vm5 =	vge.f32 v7, v4;
	v48 =	vadd.s32 v44, v45  }
0x122: {  	v49 =	vld.idx.msk [tilespmem:v3+s24+$0x8020 ss:$0x1], $0xffff;
	v50 =	vsel vm5, $0x1, v0;
	vm6 =	vge.f32 v6, v4;
	v51 =	vadd.s32 v47, v48  }
0x123: {  	v52 =	vld.idx.msk [tilespmem:v3+s24+$0x8030 ss:$0x1], $0xffff;
	v53 =	vsel vm6, $0x1, v0;
	vm7 =	vge.f32 v5, v4;
	v5 =	vadd.s32 v50, v51  }
0x124: {  	v54 =	vld.idx.msk [tilespmem:v3+s24+$0x8040 ss:$0x1], $0xffff;
	v55 =	vsel vm7, $0x1, v0;
	vm8 =	vge.f32 v8, v4;
	v5 =	vadd.s32 v53, v5  }
0x125: {  	v56 =	vld.idx.msk [tilespmem:v3+s24+$0x8050 ss:$0x1], $0xffff;
	vm1 =	vge.f32 v43, v4;
	v57 =	vsel vm8, $0x1, v0;
	v5 =	vadd.s32 v55, v5  }
0x126: {  	v58 =	vld.idx.msk [tilespmem:v3+s24+$0x8060 ss:$0x1], $0xffff;
	vm9 =	vge.f32 v46, v4;
	v59 =	vsel vm1, $0x1, v0;
	v5 =	vadd.s32 v57, v5  }
0x127: {  	v60 =	vld.idx.msk [tilespmem:v3+s24+$0x8070 ss:$0x1], $0xffff;
	vm10 =	vge.f32 v49, v4;
	v61 =	vsel vm9, $0x1, v0;
	v5 =	vadd.s32 v59, v5  }
0x128: {  	vm11 =	vge.f32 v52, v4;
	v9 =	vsel vm10, $0x1, v0;
	v5 =	vadd.s32 v61, v5  }
0x129: {  	vm12 =	vge.f32 v54, v4;
	v7 =	vsel vm11, $0x1, v0;
	v5 =	vadd.s32 v9, v5  }
0x12a: {  	vm13 =	vge.f32 v56, v4;
	v6 =	vsel vm12, $0x1, v0;
	v5 =	vadd.s32 v7, v5  }
0x12b: {  	vm14 =	vge.f32 v58, v4;
	v62 =	vsel vm13, $0x1, v0;
	v5 =	vadd.s32 v6, v5  }
0x12c: {  	vm15 =	vge.f32 v60, v4;
	v63 =	vsel vm14, $0x1, v0;
	v4 =	vadd.s32 v62, v5  }
0x12d: {  	v5 =	vsel vm15, $0x1, v0;
	v4 =	vadd.s32 v63, v4  }
0x12e: {  	v4 =	vadd.s32 v5, v4  }
0x12f: {  	(xrf0) =	vadd.scan.msk.s32 $0xffff, v4;
	_ =	sdelay $0x5  }
0x130: {  	v4, _, _ =	vpop (xrf0)  }
0x131: {  	(v2sf) =	vpush v4, $0xF;
	_ =	sdelay $0xe  }
0x132: {  	s31 =	spop (v2sf)  }
0x133: {  	s21 =	sadd.s32 $0x1, s21;
	p0 =	sgt.s32 s31, $0x20  }
0x134: {  	s20 =	smov.u32 @p0 s23;
	s23 =	smov.u32 @p0 s22;
	p0 =	sne.s32 s21, $0x14  }
.Ltmp18:
0x135: {  	_ = 	snop;
	(pc) =	sbr.rel @p0 .LBB2_21-.Ltmp18, $2  }
0x136: {  	_ =	sdelay $0x2  }
0x137: {  	s22 =	smov.u32 s23  }
.Ltmp19:
0x138: {  	(pc) =	sbr.rel .LBB2_25-.Ltmp19, $2  }
0x139: {  	_ =	sdelay $0x2  }
0x13a: {  	v4 =	vmov s23  }
.LBB2_28:
0x13b: {  	_ =	sfence.sel $0x180000  }
0x13c: {  	[bflag:$0x0] =	sbarrier.arrive $0xFFFF  }
0x13d: {  	p0 =	sne.s32 s1, $0x0;
	_ =	strace $0x90000047  }
0x13e: {  	s0 =	sadd.s32 @!p0 $0x100000, s0;
	[bflag:$0x2] =	sbarrier.arrive $0xFFFF  }
0x13f: {  	[sflag:s0] =	ssyncadd.tile.s32 @!p0 $0x1;
	_ =	shalt  }
.Lfunc_end2:
_tile_overlayer_lowered:
.L_overlay_start_2:
0x140: {  	(tag) =	ssettag $0x2  }
0x141: {  	s0 =	rddreg [dreg:$0x0];
	s2 =	stileid.u32  }
0x142: {  	s1 =	rddreg [dreg:$0x1];
	p0 =	sne.s32 s2, $0x0  }
0x143: {  	s3 =	rddreg [dreg:$0x2];
	[bflag:$0x3] =	sbarrier.arrive $0xFFFF;
	s2 =	simm.s32 @!p0 $0x1C03  }
0x144: {  	[timem:s3], [sflag:s2] =	dma.local @!p0 [hbm:s0], s1  }
0x145: {  	s0 =	simm.s32 @!p0 $0x3  }
0x146: {  	_ =	swait.ge @!p0 [sflag:s0], s1  }
0x147: {  	s1 =	ssub.s32 @!p0 $0x0, s1;
	[sflag:s0] =	ssyncset.done @!p0 $0x0  }
0x148: {  	[sflag:s0] =	ssyncadd.s32 @!p0 s1  }
0x149: {  	[bflag:$0x3] =	sbarrier.arrive $0xFFFF  }
0x14a: {  	_ =	shalt  }

</sc_bundles>
